<compile_context>
chip_gen: v7x
topology: tpu7x:2x2x1
jax: 0.10.2.dev20260603
libtpu: 0.0.44.dev20260713+nightly
codegen_flags: <defaults>
</compile_context>

<pallas_src>
import dataclasses
import functools

import jax
import jax.numpy as jnp
from jax import lax
from jax.experimental import pallas as pl
from jax.experimental.pallas import tpu as pltpu
from jax.experimental.pallas import tpu_sc as plsc

N_NODES = 10000
N_EDGES = 160000
N_FEAT = 256

NCORE = 2
NSUB = 16
ECORE = N_EDGES // NCORE
SEG = 2000
NSEGS = ECORE // SEG
NVSEG = SEG // 16
NPAD = 10240
NT = NPAD // NSUB
CHT = 160
NCHT = NT // CHT
BLK = 32
EBUF = SEG + BLK + 16



def _unit_body(r_ref, o_ref):
    r = r_ref[...]
    nrm = jnp.sqrt(jnp.sum(r * r, axis=1, keepdims=True))
    u = r / nrm
    o_ref[...] = jnp.concatenate([u, jnp.zeros((r.shape[0], 125), r.dtype)],
                                 axis=1)


def _unit_pad(r):
    B = 8000
    return pl.pallas_call(
        _unit_body,
        grid=(N_EDGES // B,),
        in_specs=[pl.BlockSpec((B, 3), lambda i: (i, 0))],
        out_specs=pl.BlockSpec((B, 128), lambda i: (i, 0)),
        out_shape=jax.ShapeDtypeStruct((N_EDGES, 128), jnp.float32),
    )(r)



def _sc_run(idxj, f, emb, chg, u):
    mesh = plsc.VectorSubcoreMesh(core_axis_name="core",
                                  subcore_axis_name="subcore")
    out_type = [
        jax.ShapeDtypeStruct((NCORE, NPAD, N_FEAT), jnp.float32),
        jax.ShapeDtypeStruct((NCORE, NPAD, N_FEAT), jnp.float32),
        jax.ShapeDtypeStruct((NCORE, NPAD * 32), jnp.float32),
    ]
    scratch = [
        pltpu.VMEM((SEG,), jnp.int32),
        pltpu.VMEM((EBUF,), jnp.int32),
        pltpu.VMEM((EBUF,), jnp.int32),
        pltpu.VMEM((BLK, N_FEAT), jnp.float32),
        pltpu.VMEM((BLK, N_FEAT), jnp.float32),
        pltpu.VMEM((BLK, N_FEAT), jnp.float32),
        pltpu.VMEM((BLK, 128), jnp.float32),
        pltpu.VMEM((CHT, N_FEAT), jnp.float32),
        pltpu.VMEM((CHT, N_FEAT), jnp.float32),
        pltpu.VMEM((CHT * 32,), jnp.float32),
        pltpu.SemaphoreType.DMA,
    ]

    cp = pltpu.CompilerParams()
    if "needs_layout_passes" in pltpu.CompilerParams.__dataclass_fields__:
        cp = dataclasses.replace(cp, needs_layout_passes=False)

    @functools.partial(pl.kernel, out_type=out_type, mesh=mesh,
                       scratch_types=scratch, compiler_params=cp)
    def body(idxj_hbm, f_hbm, emb_hbm, chg_hbm, u_hbm,
             pe_hbm, pc_hbm, pv_hbm,
             segb, eid_v, lv_v, fb, geb, gcb, ub,
             acc_e, acc_c, vacc, sem_g):
        cid = lax.axis_index("core")
        sid = lax.axis_index("subcore")
        ebase = cid * ECORE
        tb = sid * NT
        lane = lax.iota(jnp.int32, 16)
        zvec = jnp.zeros((16,), jnp.float32)

        @pl.loop(0, NCHT)
        def _chunk(ch):
            cb = tb + ch * CHT

            @pl.loop(0, CHT)
            def _zr(r):
                @pl.loop(0, N_FEAT, step=16)
                def _zc(k):
                    acc_e[r, pl.ds(k, 16)] = zvec
                    acc_c[r, pl.ds(k, 16)] = zvec
                @pl.loop(0, 32, step=16)
                def _zc2(k):
                    vacc[pl.ds(r * 32 + k, 16)] = zvec

            embv = emb_hbm.at[pl.ds(cb, CHT)]
            chgv = chg_hbm.at[pl.ds(cb, CHT)]

            @pl.loop(0, NSEGS)
            def _seg(g):
                pltpu.sync_copy(idxj_hbm.at[pl.ds(ebase + g * SEG, SEG)], segb)

                def comp(v, off):
                    vec = segb[pl.ds(v * 16, 16)]
                    m = (vec >= cb) & (vec < cb + CHT)
                    plsc.store_compressed(lv_v.at[pl.ds(off, 16)], vec - cb,
                                          mask=m)
                    ev = ebase + g * SEG + v * 16 + lane
                    plsc.store_compressed(eid_v.at[pl.ds(off, 16)], ev,
                                          mask=m)
                    return off + jnp.sum(m.astype(jnp.int32))

                n = lax.fori_loop(0, NVSEG, comp, jnp.int32(0))

                @pl.loop(0, BLK // 16)
                def _pad(t):
                    eid_v[pl.ds(n + t * 16, 16)] = jnp.broadcast_to(
                        jnp.int32(0) + ebase, (16,))
                    lv_v[pl.ds(n + t * 16, 16)] = jnp.broadcast_to(
                        jnp.int32(0), (16,))

                nb = (n + (BLK - 1)) // BLK

                def blk(b, carry):
                    o = b * BLK
                    cps = [
                        pltpu.async_copy(f_hbm.at[eid_v.at[pl.ds(o, BLK)]],
                                         fb, sem_g),
                        pltpu.async_copy(u_hbm.at[eid_v.at[pl.ds(o, BLK)]],
                                         ub, sem_g),
                        pltpu.async_copy(embv.at[lv_v.at[pl.ds(o, BLK)]],
                                         geb, sem_g),
                        pltpu.async_copy(chgv.at[lv_v.at[pl.ds(o, BLK)]],
                                         gcb, sem_g),
                    ]
                    for cpd in cps:
                        cpd.wait()

                    def edge(e, carry2):
                        lv = lv_v[pl.ds(o + e, 16)][0]
                        valid = (o + e) < n
                        se = zvec
                        sc = zvec
                        for k in range(N_FEAT // 16):
                            fv = jnp.where(valid, fb[e, pl.ds(k * 16, 16)],
                                           zvec)
                            pe = fv * geb[e, pl.ds(k * 16, 16)]
                            pc = fv * gcb[e, pl.ds(k * 16, 16)]
                            plsc.addupdate(acc_e.at[lv, pl.ds(k * 16, 16)], pe)
                            plsc.addupdate(acc_c.at[lv, pl.ds(k * 16, 16)], pc)
                            se = se + pe
                            sc = sc + pc
                        uvec = ub[e, pl.ds(0, 16)]
                        plsc.addupdate(vacc.at[pl.ds(lv * 32, 16)],
                                       uvec * jnp.sum(se))
                        plsc.addupdate(vacc.at[pl.ds(lv * 32 + 16, 16)],
                                       uvec * jnp.sum(sc))
                        return carry2

                    lax.fori_loop(0, BLK, edge, 0)
                    return carry

                lax.fori_loop(0, nb, blk, 0)

            pltpu.sync_copy(acc_e, pe_hbm.at[cid, pl.ds(cb, CHT)])
            pltpu.sync_copy(acc_c, pc_hbm.at[cid, pl.ds(cb, CHT)])
            pltpu.sync_copy(vacc, pv_hbm.at[cid, pl.ds(cb * 32, CHT * 32)])

    return body(idxj, f, emb, chg, u)



def _post_body(pe_ref, pc_ref, pv_ref, re_ref, ve_ref, rc_ref, vc_ref):
    re_ref[...] = pe_ref[0] + pe_ref[1]
    rc_ref[...] = pc_ref[0] + pc_ref[1]
    v = pv_ref[0] + pv_ref[1]
    ve = v[:, 0:16]
    vc = v[:, 16:32]
    ve_ref[...] = jnp.sqrt(jnp.sum(ve * ve, axis=1, keepdims=True))
    vc_ref[...] = jnp.sqrt(jnp.sum(vc * vc, axis=1, keepdims=True))


def _post(pe, pc, pv):
    B = 2000
    return pl.pallas_call(
        _post_body,
        grid=(N_NODES // B,),
        in_specs=[
            pl.BlockSpec((NCORE, B, N_FEAT), lambda i: (0, i, 0)),
            pl.BlockSpec((NCORE, B, N_FEAT), lambda i: (0, i, 0)),
            pl.BlockSpec((NCORE, B, 32), lambda i: (0, i, 0)),
        ],
        out_specs=[
            pl.BlockSpec((B, N_FEAT), lambda i: (i, 0)),
            pl.BlockSpec((B, 1), lambda i: (i, 0)),
            pl.BlockSpec((B, N_FEAT), lambda i: (i, 0)),
            pl.BlockSpec((B, 1), lambda i: (i, 0)),
        ],
        out_shape=[
            jax.ShapeDtypeStruct((N_NODES, N_FEAT), jnp.float32),
            jax.ShapeDtypeStruct((N_NODES, 1), jnp.float32),
            jax.ShapeDtypeStruct((N_NODES, N_FEAT), jnp.float32),
            jax.ShapeDtypeStruct((N_NODES, 1), jnp.float32),
        ],
    )(pe, pc, pv)


def kernel(atomic_embedding, partial_charges, pair_indices, f_ij_cutoff, r_ij,
           W_emb, b_emb, W_charge, b_charge):
    idxj = pair_indices[1]
    u = _unit_pad(r_ij)
    emb_p = jnp.pad(atomic_embedding, ((0, NPAD - N_NODES), (0, 0)))
    chg_p = jnp.pad(partial_charges, ((0, NPAD - N_NODES), (0, 0)))
    pe, pc, pv = _sc_run(idxj, f_ij_cutoff, emb_p, chg_p, u)
    pv = pv.reshape(NCORE, NPAD, 32)
    rad_e, vn_e, rad_c, vn_c = _post(pe, pc, pv)
    return jnp.concatenate([rad_e, vn_e, rad_c, vn_c], axis=1)

# --- scband reference (transcript-rebuilt; emitter-appended) ---
"""Pipeline reference for scband-message-module-36670430773937 (READ-ONLY COPY).

The authoritative reference and input builder live on the scoring server;
editing this copy changes nothing except your own understanding.
"""

import jax, jax.numpy as jnp
import numpy as np

N_FEAT = 256


def _calculate_contributions(feat, idx_j, f_ij_cutoff, r_ij, W, b):
    n_atoms = feat.shape[0]
    r_ij_norm = jnp.linalg.norm(r_ij, axis=1, keepdims=True)
    u_ij = r_ij / r_ij_norm
    gathered = feat[idx_j]
    proto_v_r_a = f_ij_cutoff * gathered
    radial_contributions = jnp.zeros((n_atoms, N_FEAT), dtype=feat.dtype).at[idx_j].add(proto_v_r_a)
    vector_prot_step1 = u_ij[:, :, None] * f_ij_cutoff[:, None, :]
    vector_prot_step2 = vector_prot_step1 * gathered[:, None, :]
    # Faithful to the torch module: linear transform applied to proto_v_r_a, result unused afterwards
    _unused = proto_v_r_a @ W.T + b
    vector_prot_step2 = vector_prot_step2.sum(axis=-1)
    vector_contributions = jnp.zeros((n_atoms, 3), dtype=feat.dtype).at[idx_j].add(vector_prot_step2)
    vector_norms = jnp.linalg.norm(vector_contributions, axis=1)
    return radial_contributions, vector_norms


def setup_inputs(seed: int = 0) -> dict:
    key = jax.random.key(seed)
    k1, k2, k3, k4, k5, k6, k7, k8, k9 = jax.random.split(key, 9)
    n_nodes = 10000
    n_edges = 160000
    atomic_embedding = jax.random.normal(k1, (n_nodes, N_FEAT), dtype=jnp.float32)
    partial_charges = jax.random.normal(k2, (n_nodes, N_FEAT), dtype=jnp.float32)
    pair_indices = jax.random.randint(k3, (2, n_edges), 0, n_nodes, dtype=jnp.int64 if jax.config.jax_enable_x64 else jnp.int32).astype(jnp.int32)
    f_ij_cutoff = jax.random.uniform(k4, (n_edges, N_FEAT), dtype=jnp.float32)
    r_ij = jax.random.normal(k5, (n_edges, 3), dtype=jnp.float32)
    bound = 1.0 / np.sqrt(N_FEAT)
    W_emb = jax.random.uniform(k6, (N_FEAT, N_FEAT), minval=-bound, maxval=bound, dtype=jnp.float32)
    b_emb = jax.random.uniform(k7, (N_FEAT,), minval=-bound, maxval=bound, dtype=jnp.float32)
    W_charge = jax.random.uniform(k8, (N_FEAT, N_FEAT), minval=-bound, maxval=bound, dtype=jnp.float32)
    b_charge = jax.random.uniform(k9, (N_FEAT,), minval=-bound, maxval=bound, dtype=jnp.float32)
    return {
        "atomic_embedding": atomic_embedding,
        "partial_charges": partial_charges,
        "pair_indices": pair_indices,
        "f_ij_cutoff": f_ij_cutoff,
        "r_ij": r_ij,
        "W_emb": W_emb,
        "b_emb": b_emb,
        "W_charge": W_charge,
        "b_charge": b_charge,
    }


def reference(atomic_embedding, partial_charges, pair_indices, f_ij_cutoff, r_ij, W_emb, b_emb, W_charge, b_charge):
    idx_j = pair_indices[1]
    radial_emb, vector_emb = _calculate_contributions(atomic_embedding, idx_j, f_ij_cutoff, r_ij, W_emb, b_emb)
    # is_first_module = False -> compute the charge branch too
    radial_chg, vector_chg = _calculate_contributions(partial_charges, idx_j, f_ij_cutoff, r_ij, W_charge, b_charge)
    feature_vector_emb = jnp.concatenate([radial_emb, vector_emb[:, None]], axis=1)
    feature_vector_charge = jnp.concatenate([radial_chg, vector_chg[:, None]], axis=1)
    return jnp.concatenate([feature_vector_emb, feature_vector_charge], axis=1)

if __name__ == "__main__":
    import jax
    _d = setup_inputs()
    print(jax.jit(kernel)(*tuple(_d.values())))

</pallas_src>

<mosaic_0001>
#map = affine_map<(d0, d1) -> (0)>
#map1 = affine_map<(d0, d1) -> (0, 0)>
#map2 = affine_map<(d0, d1) -> (0, 0, 0)>
module attributes {stable_mosaic.version = 14 : i64} {
  func.func @body(%arg0: i32, %arg1: i32, %arg2: memref<160000xi32, #tpu.memory_space<hbm>>, %arg3: memref<160000x256xf32, #tpu.memory_space<hbm>>, %arg4: memref<10240x256xf32, #tpu.memory_space<hbm>>, %arg5: memref<10240x256xf32, #tpu.memory_space<hbm>>, %arg6: memref<160000x128xf32, #tpu.memory_space<hbm>>, %arg7: memref<2x10240x256xf32, #tpu.memory_space<hbm>>, %arg8: memref<2x10240x256xf32, #tpu.memory_space<hbm>>, %arg9: memref<2x327680xf32, #tpu.memory_space<hbm>>, %arg10: memref<2000xi32, #tpu.memory_space<vmem>>, %arg11: memref<2048xi32, #tpu.memory_space<vmem>>, %arg12: memref<2048xi32, #tpu.memory_space<vmem>>, %arg13: memref<32x256xf32, #tpu.memory_space<vmem>>, %arg14: memref<32x256xf32, #tpu.memory_space<vmem>>, %arg15: memref<32x256xf32, #tpu.memory_space<vmem>>, %arg16: memref<32x128xf32, #tpu.memory_space<vmem>>, %arg17: memref<160x256xf32, #tpu.memory_space<vmem>>, %arg18: memref<160x256xf32, #tpu.memory_space<vmem>>, %arg19: memref<5120xf32, #tpu.memory_space<vmem>>, %arg20: memref<!tpu.dma_semaphore, #tpu.memory_space<semaphore_mem>>) attributes {dimension_semantics = [#tpu.dimension_semantics<core_parallel>, #tpu.dimension_semantics<subcore_parallel>], iteration_bounds = array<i64: 2, 16>, scalar_prefetch = 0 : i64, scratch_operands = 11 : i64, tpu.core_type = #tpu.core_type<sc_vector_subcore>, window_params = [{transform_indices = #map}, {transform_indices = #map1}, {transform_indices = #map1}, {transform_indices = #map1}, {transform_indices = #map1}, {transform_indices = #map2}, {transform_indices = #map2}, {transform_indices = #map1}]} {
    %mul3A = arith.constant 80000 : i32
    %mul3A_0 = arith.muli %arg0, %mul3A : i32
    %mul3A_1 = arith.constant 640 : i32
    %mul3A_2 = arith.muli %arg1, %mul3A_1 : i32
    %iota3A = tpu.iota {dimensions = array<i32: 0>} : vector<16xi32>
    %broadcast_in_dim3A = arith.constant 0.000000e+00 : f32
    %broadcast_in_dim3A_3 = vector.broadcast %broadcast_in_dim3A : f32 to vector<16xf32>
    %scan3A = arith.constant 0 : i32
    %scan3A_4 = arith.constant 4 : i32
    %scan3A_5 = arith.addi %scan3A, %scan3A_4 : i32
    %scan3A_6 = arith.constant 1 : i32
    scf.for %scan3A_8 = %scan3A to %scan3A_5 step %scan3A_6  : i32 {
      %mul3A_9 = arith.constant 1 : i32
      %mul3A_10 = arith.muli %scan3A_8, %mul3A_9 : i32
      %add3A = arith.constant 0 : i32
      %add3A_11 = arith.addi %add3A, %mul3A_10 : i32
      %mul3A_12 = arith.constant 160 : i32
      %mul3A_13 = arith.muli %add3A_11, %mul3A_12 : i32
      %add3A_14 = arith.addi %mul3A_2, %mul3A_13 : i32
      %scan3A_15 = arith.constant 0 : i32
      %scan3A_16 = arith.constant 160 : i32
      %scan3A_17 = arith.addi %scan3A_15, %scan3A_16 : i32
      %scan3A_18 = arith.constant 1 : i32
      scf.for %scan3A_27 = %scan3A_15 to %scan3A_17 step %scan3A_18  : i32 {
        %mul3A_28 = arith.constant 1 : i32
        %mul3A_29 = arith.muli %scan3A_27, %mul3A_28 : i32
        %add3A_30 = arith.constant 0 : i32
        %add3A_31 = arith.addi %add3A_30, %mul3A_29 : i32
        %scan3A_32 = arith.constant 0 : i32
        %scan3A_33 = arith.constant 16 : i32
        %scan3A_34 = arith.addi %scan3A_32, %scan3A_33 : i32
        %scan3A_35 = arith.constant 1 : i32
        scf.for %scan3A_42 = %scan3A_32 to %scan3A_34 step %scan3A_35  : i32 {
          %mul3A_43 = arith.constant 16 : i32
          %mul3A_44 = arith.muli %scan3A_42, %mul3A_43 : i32
          %add3A_45 = arith.constant 0 : i32
          %add3A_46 = arith.addi %add3A_45, %mul3A_44 : i32
          %swap3A = arith.index_cast %add3A_31 : i32 to index
          %swap3A_47 = arith.index_cast %add3A_46 : i32 to index
          %swap3A_48 = tpu.vector_load %arg17[%swap3A, %swap3A_47] {strides = array<i32>} : memref<160x256xf32, #tpu.memory_space<vmem>>, vector<16xf32>,
          tpu.vector_store %arg17[%swap3A, %swap3A_47], %broadcast_in_dim3A_3 {strides = array<i32>} : memref<160x256xf32, #tpu.memory_space<vmem>>, vector<16xf32>,
          %swap3A_49 = arith.index_cast %add3A_31 : i32 to index
          %swap3A_50 = arith.index_cast %add3A_46 : i32 to index
          %swap3A_51 = tpu.vector_load %arg18[%swap3A_49, %swap3A_50] {strides = array<i32>} : memref<160x256xf32, #tpu.memory_space<vmem>>, vector<16xf32>,
          tpu.vector_store %arg18[%swap3A_49, %swap3A_50], %broadcast_in_dim3A_3 {strides = array<i32>} : memref<160x256xf32, #tpu.memory_space<vmem>>, vector<16xf32>,
        }
        %scan3A_36 = arith.constant 16 : i32
        %scan3A_37 = arith.constant 0 : i32
        %scan3A_38 = arith.constant 2 : i32
        %scan3A_39 = arith.addi %scan3A_37, %scan3A_38 : i32
        %scan3A_40 = arith.constant 1 : i32
        scf.for %scan3A_42 = %scan3A_37 to %scan3A_39 step %scan3A_40  : i32 {
          %mul3A_43 = arith.constant 16 : i32
          %mul3A_44 = arith.muli %scan3A_42, %mul3A_43 : i32
          %add3A_45 = arith.constant 0 : i32
          %add3A_46 = arith.addi %add3A_45, %mul3A_44 : i32
          %mul3A_47 = arith.constant 32 : i32
          %mul3A_48 = arith.muli %add3A_31, %mul3A_47 : i32
          %add3A_49 = arith.addi %mul3A_48, %add3A_46 : i32
          %swap3A = arith.index_cast %add3A_49 : i32 to index
          %swap3A_50 = tpu.vector_load %arg19[%swap3A] {strides = array<i32>} : memref<5120xf32, #tpu.memory_space<vmem>>, vector<16xf32>,
          tpu.vector_store %arg19[%swap3A], %broadcast_in_dim3A_3 {strides = array<i32>} : memref<5120xf32, #tpu.memory_space<vmem>>, vector<16xf32>,
        }
        %scan3A_41 = arith.constant 2 : i32
      }
      %scan3A_19 = arith.constant 160 : i32
      %scan3A_20 = arith.constant 0 : i32
      %scan3A_21 = arith.constant 40 : i32
      %scan3A_22 = arith.addi %scan3A_20, %scan3A_21 : i32
      %scan3A_23 = arith.constant 1 : i32
      scf.for %scan3A_27 = %scan3A_20 to %scan3A_22 step %scan3A_23  : i32 {
        %mul3A_28 = arith.constant 1 : i32
        %mul3A_29 = arith.muli %scan3A_27, %mul3A_28 : i32
        %add3A_30 = arith.constant 0 : i32
        %add3A_31 = arith.addi %add3A_30, %mul3A_29 : i32
        %mul3A_32 = arith.constant 2000 : i32
        %mul3A_33 = arith.muli %add3A_31, %mul3A_32 : i32
        %add3A_34 = arith.addi %mul3A_0, %mul3A_33 : i32
        "tpu.region"() ({
          %run_scoped3A = tpu.sem_alloc : memref<!tpu.dma_semaphore, #tpu.memory_space<semaphore_mem>>
          %dma_start3A = tpu.memref_slice %arg2[%add3A_34] : memref<160000xi32, #tpu.memory_space<hbm>> -> memref<2000xi32, #tpu.memory_space<hbm>>
          %dma_start3A_74 = tpu.memref_slice %arg2[%add3A_34] : memref<160000xi32, #tpu.memory_space<hbm>> -> memref<2000xi32, #tpu.memory_space<hbm>>
          tpu.enqueue_dma source(%dma_start3A_74 : memref<2000xi32, #tpu.memory_space<hbm>>) target(%arg10 : memref<2000xi32, #tpu.memory_space<vmem>>) target_semaphore(%run_scoped3A : memref<!tpu.dma_semaphore, #tpu.memory_space<semaphore_mem>>)
          %dma_wait3A = tpu.memref_slice %arg2[%add3A_34] : memref<160000xi32, #tpu.memory_space<hbm>> -> memref<2000xi32, #tpu.memory_space<hbm>>
          %dma_wait3A_75 = tpu.memref_slice %arg2[%add3A_34] : memref<160000xi32, #tpu.memory_space<hbm>> -> memref<2000xi32, #tpu.memory_space<hbm>>
          tpu.wait_dma2 semaphore(%run_scoped3A : memref<!tpu.dma_semaphore, #tpu.memory_space<semaphore_mem>>) src(%dma_wait3A_75 : memref<2000xi32, #tpu.memory_space<hbm>>) dst(%arg10 : memref<2000xi32, #tpu.memory_space<vmem>>)
          tpu.yield
        }) : () -> ()
        %scan3A_35 = arith.constant 0 : i32
        %scan3A_36 = arith.constant 0 : i32
        %scan3A_37 = arith.constant 125 : i32
        %scan3A_38 = arith.addi %scan3A_36, %scan3A_37 : i32
        %scan3A_39 = arith.constant 1 : i32
        %scan3A_40 = scf.for %scan3A_74 = %scan3A_36 to %scan3A_38 step %scan3A_39 iter_args(%scan3A_75 = %scan3A_35) -> (i32)  : i32 {
          %mul3A_76 = arith.constant 16 : i32
          %mul3A_77 = arith.muli %scan3A_74, %mul3A_76 : i32
          %get3A = arith.index_cast %mul3A_77 : i32 to index
          %get3A_78 = tpu.vector_load %arg10[%get3A] {strides = array<i32>} : memref<2000xi32, #tpu.memory_space<vmem>>, vector<16xi32>,
          %ge3A = vector.broadcast %add3A_14 : i32 to vector<16xi32>
          %ge3A_79 = arith.cmpi sge, %get3A_78, %ge3A : vector<16xi32>
          %add3A_80 = arith.constant 160 : i32
          %add3A_81 = arith.addi %add3A_14, %add3A_80 : i32
          %lt3A = vector.broadcast %add3A_81 : i32 to vector<16xi32>
          %lt3A_82 = arith.cmpi slt, %get3A_78, %lt3A : vector<16xi32>
          %and3A_83 = arith.andi %ge3A_79, %lt3A_82 : vector<16xi1>
          %sub3A_84 = vector.broadcast %add3A_14 : i32 to vector<16xi32>
          %sub3A_85 = arith.subi %get3A_78, %sub3A_84 : vector<16xi32>
          %swap3A = arith.index_cast %scan3A_75 : i32 to index
          %swap3A_86 = tpu.vector_load %arg12[%swap3A] masked %and3A_83 {strides = array<i32>} : memref<2048xi32, #tpu.memory_space<vmem>>, vector<16xi32>, vector<16xi1>
          tpu.vector_store %arg12[%swap3A], %sub3A_85 masked %and3A_83 {strides = array<i32>} : memref<2048xi32, #tpu.memory_space<vmem>>, vector<16xi32>, vector<16xi1>
          %mul3A_87 = arith.constant 2000 : i32
          %mul3A_88 = arith.muli %add3A_31, %mul3A_87 : i32
          %add3A_89 = arith.addi %mul3A_0, %mul3A_88 : i32
          %mul3A_90 = arith.constant 16 : i32
          %mul3A_91 = arith.muli %scan3A_74, %mul3A_90 : i32
          %add3A_92 = arith.addi %add3A_89, %mul3A_91 : i32
          %add3A_93 = vector.broadcast %add3A_92 : i32 to vector<16xi32>
          %add3A_94 = arith.addi %add3A_93, %iota3A : vector<16xi32>
          %swap3A_95 = arith.index_cast %scan3A_75 : i32 to index
          %swap3A_96 = tpu.vector_load %arg11[%swap3A_95] masked %and3A_83 {strides = array<i32>} : memref<2048xi32, #tpu.memory_space<vmem>>, vector<16xi32>, vector<16xi1>
          tpu.vector_store %arg11[%swap3A_95], %add3A_94 masked %and3A_83 {strides = array<i32>} : memref<2048xi32, #tpu.memory_space<vmem>>, vector<16xi32>, vector<16xi1>
          %convert_element_type3A = arith.extui %and3A_83 : vector<16xi1> to vector<16xi32>
          %reduce_sum3A = arith.constant true
          %reduce_sum3A_97 = vector.broadcast %reduce_sum3A : i1 to vector<16xi1>
          %reduce_sum3A_98 = tpu.scan <sum>, %convert_element_type3A masked %reduce_sum3A_97 : vector<16xi32>, vector<16xi1> -> vector<16xi32>
          %reduce_sum3A_99 = vector.extract %reduce_sum3A_98[15] : i32 from vector<16xi32>
          %add3A_100 = arith.addi %scan3A_75, %reduce_sum3A_99 : i32
          scf.yield %add3A_100 : i32
        }
        %scan3A_41 = arith.constant 125 : i32
        %scan3A_42 = arith.constant 0 : i32
        %scan3A_43 = arith.constant 2 : i32
        %scan3A_44 = arith.addi %scan3A_42, %scan3A_43 : i32
        %scan3A_45 = arith.constant 1 : i32
        scf.for %scan3A_74 = %scan3A_42 to %scan3A_44 step %scan3A_45  : i32 {
          %mul3A_75 = arith.constant 1 : i32
          %mul3A_76 = arith.muli %scan3A_74, %mul3A_75 : i32
          %add3A_77 = arith.constant 0 : i32
          %add3A_78 = arith.addi %add3A_77, %mul3A_76 : i32
          %add3A_79 = arith.constant 0 : i32
          %add3A_80 = arith.addi %add3A_79, %mul3A_0 : i32
          %broadcast_in_dim3A_81 = vector.broadcast %add3A_80 : i32 to vector<16xi32>
          %mul3A_82 = arith.constant 16 : i32
          %mul3A_83 = arith.muli %add3A_78, %mul3A_82 : i32
          %add3A_84 = arith.addi %scan3A_40, %mul3A_83 : i32
          %swap3A = arith.index_cast %add3A_84 : i32 to index
          %swap3A_85 = tpu.vector_load %arg11[%swap3A] {strides = array<i32>} : memref<2048xi32, #tpu.memory_space<vmem>>, vector<16xi32>,
          tpu.vector_store %arg11[%swap3A], %broadcast_in_dim3A_81 {strides = array<i32>} : memref<2048xi32, #tpu.memory_space<vmem>>, vector<16xi32>,
          %broadcast_in_dim3A_86 = arith.constant 0 : i32
          %broadcast_in_dim3A_87 = vector.broadcast %broadcast_in_dim3A_86 : i32 to vector<16xi32>
          %mul3A_88 = arith.constant 16 : i32
          %mul3A_89 = arith.muli %add3A_78, %mul3A_88 : i32
          %add3A_90 = arith.addi %scan3A_40, %mul3A_89 : i32
          %swap3A_91 = arith.index_cast %add3A_90 : i32 to index
          %swap3A_92 = tpu.vector_load %arg12[%swap3A_91] {strides = array<i32>} : memref<2048xi32, #tpu.memory_space<vmem>>, vector<16xi32>,
          tpu.vector_store %arg12[%swap3A_91], %broadcast_in_dim3A_87 {strides = array<i32>} : memref<2048xi32, #tpu.memory_space<vmem>>, vector<16xi32>,
        }
        %scan3A_46 = arith.constant 2 : i32
        %add3A_47 = arith.constant 31 : i32
        %add3A_48 = arith.addi %scan3A_40, %add3A_47 : i32
        %jit3A = arith.constant 32 : i32
        %div3A = arith.divsi %add3A_48, %jit3A : i32
        %sign3A = arith.constant 0 : i32
        %sign3A_49 = arith.cmpi sgt, %add3A_48, %sign3A : i32
        %sign3A_50 = arith.extui %sign3A_49 : i1 to i32
        %sign3A_51 = arith.constant 0 : i32
        %sign3A_52 = arith.cmpi slt, %add3A_48, %sign3A_51 : i32
        %sign3A_53 = arith.extui %sign3A_52 : i1 to i32
        %sign3A_54 = arith.subi %sign3A_50, %sign3A_53 : i32
        %sign3A_55 = arith.constant 0 : i32
        %sign3A_56 = arith.cmpi sgt, %jit3A, %sign3A_55 : i32
        %sign3A_57 = arith.extui %sign3A_56 : i1 to i32
        %sign3A_58 = arith.constant 0 : i32
        %sign3A_59 = arith.cmpi slt, %jit3A, %sign3A_58 : i32
        %sign3A_60 = arith.extui %sign3A_59 : i1 to i32
        %sign3A_61 = arith.subi %sign3A_57, %sign3A_60 : i32
        %ne3A = arith.cmpi ne, %sign3A_54, %sign3A_61 : i32
        %rem3A = arith.remsi %add3A_48, %jit3A : i32
        %ne3A_62 = arith.constant 0 : i32
        %ne3A_63 = arith.cmpi ne, %rem3A, %ne3A_62 : i32
        %and3A = arith.andi %ne3A, %ne3A_63 : i1
        %sub3A = arith.constant 1 : i32
        %sub3A_64 = arith.subi %div3A, %sub3A : i32
        %select_n3A = arith.select %and3A, %sub3A_64, %div3A : i32
        %while3A = arith.constant 0 : i32
        %while3A_65 = arith.constant 0 : i32
        %while3A_66 = arith.subi %select_n3A, %while3A_65 : i32
        %while3A_67 = arith.addi %while3A_65, %while3A_66 : i32
        %while3A_68 = arith.constant 1 : i32
        %while3A_69 = arith.divsi %while3A_66, %while3A_68 : i32
        %while3A_70 = arith.muli %while3A_69, %while3A_68 : i32
        %while3A_71 = arith.addi %while3A_65, %while3A_70 : i32
        %while3A_72 = arith.constant 1 : i32
        scf.for %while3A_74 = %while3A_65 to %while3A_71 step %while3A_72  : i32 {
          %mul3A_75 = arith.constant 32 : i32
          %mul3A_76 = arith.muli %while3A_74, %mul3A_75 : i32
          %dma_start3A = tpu.memref_slice %arg11[%mul3A_76] : memref<2048xi32, #tpu.memory_space<vmem>> -> memref<32xi32, #tpu.memory_space<vmem>>
          %dma_start3A_77 = arith.constant 0 : i32
          %dma_start3A_78 = arith.constant 0 : i32
          %dma_start3A_79 = tpu.memref_slice %arg3[%dma_start3A_77, %dma_start3A_78] : memref<160000x256xf32, #tpu.memory_space<hbm>> -> memref<160000x256xf32, #tpu.memory_space<hbm>>
          tpu.enqueue_indirect_dma source(%dma_start3A_79 : memref<160000x256xf32, #tpu.memory_space<hbm>>) target(%arg13 : memref<32x256xf32, #tpu.memory_space<vmem>>) offsets(%dma_start3A : memref<32xi32, #tpu.memory_space<vmem>>) semaphore(%arg20 : memref<!tpu.dma_semaphore, #tpu.memory_space<semaphore_mem>>)
          %dma_start3A_80 = tpu.memref_slice %arg11[%mul3A_76] : memref<2048xi32, #tpu.memory_space<vmem>> -> memref<32xi32, #tpu.memory_space<vmem>>
          %dma_start3A_81 = arith.constant 0 : i32
          %dma_start3A_82 = arith.constant 0 : i32
          %dma_start3A_83 = tpu.memref_slice %arg6[%dma_start3A_81, %dma_start3A_82] : memref<160000x128xf32, #tpu.memory_space<hbm>> -> memref<160000x128xf32, #tpu.memory_space<hbm>>
          tpu.enqueue_indirect_dma source(%dma_start3A_83 : memref<160000x128xf32, #tpu.memory_space<hbm>>) target(%arg16 : memref<32x128xf32, #tpu.memory_space<vmem>>) offsets(%dma_start3A_80 : memref<32xi32, #tpu.memory_space<vmem>>) semaphore(%arg20 : memref<!tpu.dma_semaphore, #tpu.memory_space<semaphore_mem>>)
          %dma_start3A_84 = tpu.memref_slice %arg12[%mul3A_76] : memref<2048xi32, #tpu.memory_space<vmem>> -> memref<32xi32, #tpu.memory_space<vmem>>
          %dma_start3A_85 = arith.constant 0 : i32
          %dma_start3A_86 = tpu.memref_slice %arg4[%add3A_14, %dma_start3A_85] : memref<10240x256xf32, #tpu.memory_space<hbm>> -> memref<160x256xf32, #tpu.memory_space<hbm>>
          %dma_start3A_87 = arith.constant 0 : i32
          %dma_start3A_88 = arith.constant 0 : i32
          %dma_start3A_89 = tpu.memref_slice %dma_start3A_86[%dma_start3A_87, %dma_start3A_88] : memref<160x256xf32, #tpu.memory_space<hbm>> -> memref<160x256xf32, #tpu.memory_space<hbm>>
          tpu.enqueue_indirect_dma source(%dma_start3A_89 : memref<160x256xf32, #tpu.memory_space<hbm>>) target(%arg14 : memref<32x256xf32, #tpu.memory_space<vmem>>) offsets(%dma_start3A_84 : memref<32xi32, #tpu.memory_space<vmem>>) semaphore(%arg20 : memref<!tpu.dma_semaphore, #tpu.memory_space<semaphore_mem>>)
          %dma_start3A_90 = tpu.memref_slice %arg12[%mul3A_76] : memref<2048xi32, #tpu.memory_space<vmem>> -> memref<32xi32, #tpu.memory_space<vmem>>
          %dma_start3A_91 = arith.constant 0 : i32
          %dma_start3A_92 = tpu.memref_slice %arg5[%add3A_14, %dma_start3A_91] : memref<10240x256xf32, #tpu.memory_space<hbm>> -> memref<160x256xf32, #tpu.memory_space<hbm>>
          %dma_start3A_93 = arith.constant 0 : i32
          %dma_start3A_94 = arith.constant 0 : i32
          %dma_start3A_95 = tpu.memref_slice %dma_start3A_92[%dma_start3A_93, %dma_start3A_94] : memref<160x256xf32, #tpu.memory_space<hbm>> -> memref<160x256xf32, #tpu.memory_space<hbm>>
          tpu.enqueue_indirect_dma source(%dma_start3A_95 : memref<160x256xf32, #tpu.memory_space<hbm>>) target(%arg15 : memref<32x256xf32, #tpu.memory_space<vmem>>) offsets(%dma_start3A_90 : memref<32xi32, #tpu.memory_space<vmem>>) semaphore(%arg20 : memref<!tpu.dma_semaphore, #tpu.memory_space<semaphore_mem>>)
          %dma_wait3A = tpu.memref_slice %arg11[%mul3A_76] : memref<2048xi32, #tpu.memory_space<vmem>> -> memref<32xi32, #tpu.memory_space<vmem>>
          %dma_wait3A_96 = arith.constant 0 : i32
          %dma_wait3A_97 = arith.constant 0 : i32
          %dma_wait3A_98 = tpu.memref_slice %arg3[%dma_wait3A_96, %dma_wait3A_97] : memref<160000x256xf32, #tpu.memory_space<hbm>> -> memref<160000x256xf32, #tpu.memory_space<hbm>>
          tpu.wait_indirect_dma semaphore(%arg20 : memref<!tpu.dma_semaphore, #tpu.memory_space<semaphore_mem>>) src(%dma_wait3A_98 : memref<160000x256xf32, #tpu.memory_space<hbm>>) dst(%arg13 : memref<32x256xf32, #tpu.memory_space<vmem>>)
          %dma_wait3A_99 = tpu.memref_slice %arg11[%mul3A_76] : memref<2048xi32, #tpu.memory_space<vmem>> -> memref<32xi32, #tpu.memory_space<vmem>>
          %dma_wait3A_100 = arith.constant 0 : i32
          %dma_wait3A_101 = arith.constant 0 : i32
          %dma_wait3A_102 = tpu.memref_slice %arg6[%dma_wait3A_100, %dma_wait3A_101] : memref<160000x128xf32, #tpu.memory_space<hbm>> -> memref<160000x128xf32, #tpu.memory_space<hbm>>
          tpu.wait_indirect_dma semaphore(%arg20 : memref<!tpu.dma_semaphore, #tpu.memory_space<semaphore_mem>>) src(%dma_wait3A_102 : memref<160000x128xf32, #tpu.memory_space<hbm>>) dst(%arg16 : memref<32x128xf32, #tpu.memory_space<vmem>>)
          %dma_wait3A_103 = tpu.memref_slice %arg12[%mul3A_76] : memref<2048xi32, #tpu.memory_space<vmem>> -> memref<32xi32, #tpu.memory_space<vmem>>
          %dma_wait3A_104 = arith.constant 0 : i32
          %dma_wait3A_105 = tpu.memref_slice %arg4[%add3A_14, %dma_wait3A_104] : memref<10240x256xf32, #tpu.memory_space<hbm>> -> memref<160x256xf32, #tpu.memory_space<hbm>>
          %dma_wait3A_106 = arith.constant 0 : i32
          %dma_wait3A_107 = arith.constant 0 : i32
          %dma_wait3A_108 = tpu.memref_slice %dma_wait3A_105[%dma_wait3A_106, %dma_wait3A_107] : memref<160x256xf32, #tpu.memory_space<hbm>> -> memref<160x256xf32, #tpu.memory_space<hbm>>
          tpu.wait_indirect_dma semaphore(%arg20 : memref<!tpu.dma_semaphore, #tpu.memory_space<semaphore_mem>>) src(%dma_wait3A_108 : memref<160x256xf32, #tpu.memory_space<hbm>>) dst(%arg14 : memref<32x256xf32, #tpu.memory_space<vmem>>)
          %dma_wait3A_109 = tpu.memref_slice %arg12[%mul3A_76] : memref<2048xi32, #tpu.memory_space<vmem>> -> memref<32xi32, #tpu.memory_space<vmem>>
          %dma_wait3A_110 = arith.constant 0 : i32
          %dma_wait3A_111 = tpu.memref_slice %arg5[%add3A_14, %dma_wait3A_110] : memref<10240x256xf32, #tpu.memory_space<hbm>> -> memref<160x256xf32, #tpu.memory_space<hbm>>
          %dma_wait3A_112 = arith.constant 0 : i32
          %dma_wait3A_113 = arith.constant 0 : i32
          %dma_wait3A_114 = tpu.memref_slice %dma_wait3A_111[%dma_wait3A_112, %dma_wait3A_113] : memref<160x256xf32, #tpu.memory_space<hbm>> -> memref<160x256xf32, #tpu.memory_space<hbm>>
          tpu.wait_indirect_dma semaphore(%arg20 : memref<!tpu.dma_semaphore, #tpu.memory_space<semaphore_mem>>) src(%dma_wait3A_114 : memref<160x256xf32, #tpu.memory_space<hbm>>) dst(%arg15 : memref<32x256xf32, #tpu.memory_space<vmem>>)
          %scan3A_115 = arith.constant 0 : i32
          %scan3A_116 = arith.constant 0 : i32
          %scan3A_117 = arith.constant 32 : i32
          %scan3A_118 = arith.addi %scan3A_116, %scan3A_117 : i32
          %scan3A_119 = arith.constant 1 : i32
          scf.for %scan3A_121 = %scan3A_116 to %scan3A_118 step %scan3A_119  : i32 {
            %add3A_122 = arith.addi %mul3A_76, %scan3A_121 : i32
            %get3A = arith.index_cast %add3A_122 : i32 to index
            %get3A_123 = tpu.vector_load %arg12[%get3A] {strides = array<i32>} : memref<2048xi32, #tpu.memory_space<vmem>>, vector<16xi32>,
            %slice3A = vector.extract_strided_slice %get3A_123 {offsets = [0], sizes = [1], strides = [1]} : vector<16xi32> to vector<1xi32>
            %squeeze3A = vector.extract %slice3A[0] : i32 from vector<1xi32>
            %add3A_124 = arith.addi %mul3A_76, %scan3A_121 : i32
            %lt3A = arith.cmpi slt, %add3A_124, %scan3A_40 : i32
            %get3A_125 = arith.index_cast %scan3A_121 : i32 to index
            %get3A_126 = arith.constant 0 : index
            %get3A_127 = tpu.vector_load %arg13[%get3A_125, %get3A_126] {strides = array<i32>} : memref<32x256xf32, #tpu.memory_space<vmem>>, vector<16xf32>,
            %select_n3A_128 = arith.select %lt3A, %get3A_127, %broadcast_in_dim3A_3 : vector<16xf32>
            %get3A_129 = arith.index_cast %scan3A_121 : i32 to index
            %get3A_130 = arith.constant 0 : index
            %get3A_131 = tpu.vector_load %arg14[%get3A_129, %get3A_130] {strides = array<i32>} : memref<32x256xf32, #tpu.memory_space<vmem>>, vector<16xf32>,
            %mul3A_132 = arith.mulf %select_n3A_128, %get3A_131 : vector<16xf32>
            %get3A_133 = arith.index_cast %scan3A_121 : i32 to index
            %get3A_134 = arith.constant 0 : index
            %get3A_135 = tpu.vector_load %arg15[%get3A_133, %get3A_134] {strides = array<i32>} : memref<32x256xf32, #tpu.memory_space<vmem>>, vector<16xf32>,
            %mul3A_136 = arith.mulf %select_n3A_128, %get3A_135 : vector<16xf32>
            %swap3A = arith.index_cast %squeeze3A : i32 to index
            %swap3A_137 = arith.constant 0 : index
            %swap3A_138 = tpu.vector_load %arg17[%swap3A, %swap3A_137] {strides = array<i32>} : memref<160x256xf32, #tpu.memory_space<vmem>>, vector<16xf32>,
            tpu.vector_store %arg17[%swap3A, %swap3A_137], %mul3A_132 {add = true, strides = array<i32>} : memref<160x256xf32, #tpu.memory_space<vmem>>, vector<16xf32>,
            %swap3A_139 = arith.index_cast %squeeze3A : i32 to index
            %swap3A_140 = arith.constant 0 : index
            %swap3A_141 = tpu.vector_load %arg18[%swap3A_139, %swap3A_140] {strides = array<i32>} : memref<160x256xf32, #tpu.memory_space<vmem>>, vector<16xf32>,
            tpu.vector_store %arg18[%swap3A_139, %swap3A_140], %mul3A_136 {add = true, strides = array<i32>} : memref<160x256xf32, #tpu.memory_space<vmem>>, vector<16xf32>,
            %add3A_142 = arith.addf %broadcast_in_dim3A_3, %mul3A_132 : vector<16xf32>
            %add3A_143 = arith.addf %broadcast_in_dim3A_3, %mul3A_136 : vector<16xf32>
            %get3A_144 = arith.index_cast %scan3A_121 : i32 to index
            %get3A_145 = arith.constant 16 : index
            %get3A_146 = tpu.vector_load %arg13[%get3A_144, %get3A_145] {strides = array<i32>} : memref<32x256xf32, #tpu.memory_space<vmem>>, vector<16xf32>,
            %select_n3A_147 = arith.select %lt3A, %get3A_146, %broadcast_in_dim3A_3 : vector<16xf32>
            %get3A_148 = arith.index_cast %scan3A_121 : i32 to index
            %get3A_149 = arith.constant 16 : index
            %get3A_150 = tpu.vector_load %arg14[%get3A_148, %get3A_149] {strides = array<i32>} : memref<32x256xf32, #tpu.memory_space<vmem>>, vector<16xf32>,
            %mul3A_151 = arith.mulf %select_n3A_147, %get3A_150 : vector<16xf32>
            %get3A_152 = arith.index_cast %scan3A_121 : i32 to index
            %get3A_153 = arith.constant 16 : index
            %get3A_154 = tpu.vector_load %arg15[%get3A_152, %get3A_153] {strides = array<i32>} : memref<32x256xf32, #tpu.memory_space<vmem>>, vector<16xf32>,
            %mul3A_155 = arith.mulf %select_n3A_147, %get3A_154 : vector<16xf32>
            %swap3A_156 = arith.index_cast %squeeze3A : i32 to index
            %swap3A_157 = arith.constant 16 : index
            %swap3A_158 = tpu.vector_load %arg17[%swap3A_156, %swap3A_157] {strides = array<i32>} : memref<160x256xf32, #tpu.memory_space<vmem>>, vector<16xf32>,
            tpu.vector_store %arg17[%swap3A_156, %swap3A_157], %mul3A_151 {add = true, strides = array<i32>} : memref<160x256xf32, #tpu.memory_space<vmem>>, vector<16xf32>,
            %swap3A_159 = arith.index_cast %squeeze3A : i32 to index
            %swap3A_160 = arith.constant 16 : index
            %swap3A_161 = tpu.vector_load %arg18[%swap3A_159, %swap3A_160] {strides = array<i32>} : memref<160x256xf32, #tpu.memory_space<vmem>>, vector<16xf32>,
            tpu.vector_store %arg18[%swap3A_159, %swap3A_160], %mul3A_155 {add = true, strides = array<i32>} : memref<160x256xf32, #tpu.memory_space<vmem>>, vector<16xf32>,
            %add3A_162 = arith.addf %add3A_142, %mul3A_151 : vector<16xf32>
            %add3A_163 = arith.addf %add3A_143, %mul3A_155 : vector<16xf32>
            %get3A_164 = arith.index_cast %scan3A_121 : i32 to index
            %get3A_165 = arith.constant 32 : index
            %get3A_166 = tpu.vector_load %arg13[%get3A_164, %get3A_165] {strides = array<i32>} : memref<32x256xf32, #tpu.memory_space<vmem>>, vector<16xf32>,
            %select_n3A_167 = arith.select %lt3A, %get3A_166, %broadcast_in_dim3A_3 : vector<16xf32>
            %get3A_168 = arith.index_cast %scan3A_121 : i32 to index
            %get3A_169 = arith.constant 32 : index
            %get3A_170 = tpu.vector_load %arg14[%get3A_168, %get3A_169] {strides = array<i32>} : memref<32x256xf32, #tpu.memory_space<vmem>>, vector<16xf32>,
            %mul3A_171 = arith.mulf %select_n3A_167, %get3A_170 : vector<16xf32>
            %get3A_172 = arith.index_cast %scan3A_121 : i32 to index
            %get3A_173 = arith.constant 32 : index
            %get3A_174 = tpu.vector_load %arg15[%get3A_172, %get3A_173] {strides = array<i32>} : memref<32x256xf32, #tpu.memory_space<vmem>>, vector<16xf32>,
            %mul3A_175 = arith.mulf %select_n3A_167, %get3A_174 : vector<16xf32>
            %swap3A_176 = arith.index_cast %squeeze3A : i32 to index
            %swap3A_177 = arith.constant 32 : index
            %swap3A_178 = tpu.vector_load %arg17[%swap3A_176, %swap3A_177] {strides = array<i32>} : memref<160x256xf32, #tpu.memory_space<vmem>>, vector<16xf32>,
            tpu.vector_store %arg17[%swap3A_176, %swap3A_177], %mul3A_171 {add = true, strides = array<i32>} : memref<160x256xf32, #tpu.memory_space<vmem>>, vector<16xf32>,
            %swap3A_179 = arith.index_cast %squeeze3A : i32 to index
            %swap3A_180 = arith.constant 32 : index
            %swap3A_181 = tpu.vector_load %arg18[%swap3A_179, %swap3A_180] {strides = array<i32>} : memref<160x256xf32, #tpu.memory_space<vmem>>, vector<16xf32>,
            tpu.vector_store %arg18[%swap3A_179, %swap3A_180], %mul3A_175 {add = true, strides = array<i32>} : memref<160x256xf32, #tpu.memory_space<vmem>>, vector<16xf32>,
            %add3A_182 = arith.addf %add3A_162, %mul3A_171 : vector<16xf32>
            %add3A_183 = arith.addf %add3A_163, %mul3A_175 : vector<16xf32>
            %get3A_184 = arith.index_cast %scan3A_121 : i32 to index
            %get3A_185 = arith.constant 48 : index
            %get3A_186 = tpu.vector_load %arg13[%get3A_184, %get3A_185] {strides = array<i32>} : memref<32x256xf32, #tpu.memory_space<vmem>>, vector<16xf32>,
            %select_n3A_187 = arith.select %lt3A, %get3A_186, %broadcast_in_dim3A_3 : vector<16xf32>
            %get3A_188 = arith.index_cast %scan3A_121 : i32 to index
            %get3A_189 = arith.constant 48 : index
            %get3A_190 = tpu.vector_load %arg14[%get3A_188, %get3A_189] {strides = array<i32>} : memref<32x256xf32, #tpu.memory_space<vmem>>, vector<16xf32>,
            %mul3A_191 = arith.mulf %select_n3A_187, %get3A_190 : vector<16xf32>
            %get3A_192 = arith.index_cast %scan3A_121 : i32 to index
            %get3A_193 = arith.constant 48 : index
            %get3A_194 = tpu.vector_load %arg15[%get3A_192, %get3A_193] {strides = array<i32>} : memref<32x256xf32, #tpu.memory_space<vmem>>, vector<16xf32>,
            %mul3A_195 = arith.mulf %select_n3A_187, %get3A_194 : vector<16xf32>
            %swap3A_196 = arith.index_cast %squeeze3A : i32 to index
            %swap3A_197 = arith.constant 48 : index
            %swap3A_198 = tpu.vector_load %arg17[%swap3A_196, %swap3A_197] {strides = array<i32>} : memref<160x256xf32, #tpu.memory_space<vmem>>, vector<16xf32>,
            tpu.vector_store %arg17[%swap3A_196, %swap3A_197], %mul3A_191 {add = true, strides = array<i32>} : memref<160x256xf32, #tpu.memory_space<vmem>>, vector<16xf32>,
            %swap3A_199 = arith.index_cast %squeeze3A : i32 to index
            %swap3A_200 = arith.constant 48 : index
            %swap3A_201 = tpu.vector_load %arg18[%swap3A_199, %swap3A_200] {strides = array<i32>} : memref<160x256xf32, #tpu.memory_space<vmem>>, vector<16xf32>,
            tpu.vector_store %arg18[%swap3A_199, %swap3A_200], %mul3A_195 {add = true, strides = array<i32>} : memref<160x256xf32, #tpu.memory_space<vmem>>, vector<16xf32>,
            %add3A_202 = arith.addf %add3A_182, %mul3A_191 : vector<16xf32>
            %add3A_203 = arith.addf %add3A_183, %mul3A_195 : vector<16xf32>
            %get3A_204 = arith.index_cast %scan3A_121 : i32 to index
            %get3A_205 = arith.constant 64 : index
            %get3A_206 = tpu.vector_load %arg13[%get3A_204, %get3A_205] {strides = array<i32>} : memref<32x256xf32, #tpu.memory_space<vmem>>, vector<16xf32>,
            %select_n3A_207 = arith.select %lt3A, %get3A_206, %broadcast_in_dim3A_3 : vector<16xf32>
            %get3A_208 = arith.index_cast %scan3A_121 : i32 to index
            %get3A_209 = arith.constant 64 : index
            %get3A_210 = tpu.vector_load %arg14[%get3A_208, %get3A_209] {strides = array<i32>} : memref<32x256xf32, #tpu.memory_space<vmem>>, vector<16xf32>,
            %mul3A_211 = arith.mulf %select_n3A_207, %get3A_210 : vector<16xf32>
            %get3A_212 = arith.index_cast %scan3A_121 : i32 to index
            %get3A_213 = arith.constant 64 : index
            %get3A_214 = tpu.vector_load %arg15[%get3A_212, %get3A_213] {strides = array<i32>} : memref<32x256xf32, #tpu.memory_space<vmem>>, vector<16xf32>,
            %mul3A_215 = arith.mulf %select_n3A_207, %get3A_214 : vector<16xf32>
            %swap3A_216 = arith.index_cast %squeeze3A : i32 to index
            %swap3A_217 = arith.constant 64 : index
            %swap3A_218 = tpu.vector_load %arg17[%swap3A_216, %swap3A_217] {strides = array<i32>} : memref<160x256xf32, #tpu.memory_space<vmem>>, vector<16xf32>,
            tpu.vector_store %arg17[%swap3A_216, %swap3A_217], %mul3A_211 {add = true, strides = array<i32>} : memref<160x256xf32, #tpu.memory_space<vmem>>, vector<16xf32>,
            %swap3A_219 = arith.index_cast %squeeze3A : i32 to index
            %swap3A_220 = arith.constant 64 : index
            %swap3A_221 = tpu.vector_load %arg18[%swap3A_219, %swap3A_220] {strides = array<i32>} : memref<160x256xf32, #tpu.memory_space<vmem>>, vector<16xf32>,
            tpu.vector_store %arg18[%swap3A_219, %swap3A_220], %mul3A_215 {add = true, strides = array<i32>} : memref<160x256xf32, #tpu.memory_space<vmem>>, vector<16xf32>,
            %add3A_222 = arith.addf %add3A_202, %mul3A_211 : vector<16xf32>
            %add3A_223 = arith.addf %add3A_203, %mul3A_215 : vector<16xf32>
            %get3A_224 = arith.index_cast %scan3A_121 : i32 to index
            %get3A_225 = arith.constant 80 : index
            %get3A_226 = tpu.vector_load %arg13[%get3A_224, %get3A_225] {strides = array<i32>} : memref<32x256xf32, #tpu.memory_space<vmem>>, vector<16xf32>,
            %select_n3A_227 = arith.select %lt3A, %get3A_226, %broadcast_in_dim3A_3 : vector<16xf32>
            %get3A_228 = arith.index_cast %scan3A_121 : i32 to index
            %get3A_229 = arith.constant 80 : index
            %get3A_230 = tpu.vector_load %arg14[%get3A_228, %get3A_229] {strides = array<i32>} : memref<32x256xf32, #tpu.memory_space<vmem>>, vector<16xf32>,
            %mul3A_231 = arith.mulf %select_n3A_227, %get3A_230 : vector<16xf32>
            %get3A_232 = arith.index_cast %scan3A_121 : i32 to index
            %get3A_233 = arith.constant 80 : index
            %get3A_234 = tpu.vector_load %arg15[%get3A_232, %get3A_233] {strides = array<i32>} : memref<32x256xf32, #tpu.memory_space<vmem>>, vector<16xf32>,
            %mul3A_235 = arith.mulf %select_n3A_227, %get3A_234 : vector<16xf32>
            %swap3A_236 = arith.index_cast %squeeze3A : i32 to index
            %swap3A_237 = arith.constant 80 : index
            %swap3A_238 = tpu.vector_load %arg17[%swap3A_236, %swap3A_237] {strides = array<i32>} : memref<160x256xf32, #tpu.memory_space<vmem>>, vector<16xf32>,
            tpu.vector_store %arg17[%swap3A_236, %swap3A_237], %mul3A_231 {add = true, strides = array<i32>} : memref<160x256xf32, #tpu.memory_space<vmem>>, vector<16xf32>,
            %swap3A_239 = arith.index_cast %squeeze3A : i32 to index
            %swap3A_240 = arith.constant 80 : index
            %swap3A_241 = tpu.vector_load %arg18[%swap3A_239, %swap3A_240] {strides = array<i32>} : memref<160x256xf32, #tpu.memory_space<vmem>>, vector<16xf32>,
            tpu.vector_store %arg18[%swap3A_239, %swap3A_240], %mul3A_235 {add = true, strides = array<i32>} : memref<160x256xf32, #tpu.memory_space<vmem>>, vector<16xf32>,
            %add3A_242 = arith.addf %add3A_222, %mul3A_231 : vector<16xf32>
            %add3A_243 = arith.addf %add3A_223, %mul3A_235 : vector<16xf32>
            %get3A_244 = arith.index_cast %scan3A_121 : i32 to index
            %get3A_245 = arith.constant 96 : index
            %get3A_246 = tpu.vector_load %arg13[%get3A_244, %get3A_245] {strides = array<i32>} : memref<32x256xf32, #tpu.memory_space<vmem>>, vector<16xf32>,
            %select_n3A_247 = arith.select %lt3A, %get3A_246, %broadcast_in_dim3A_3 : vector<16xf32>
            %get3A_248 = arith.index_cast %scan3A_121 : i32 to index
            %get3A_249 = arith.constant 96 : index
            %get3A_250 = tpu.vector_load %arg14[%get3A_248, %get3A_249] {strides = array<i32>} : memref<32x256xf32, #tpu.memory_space<vmem>>, vector<16xf32>,
            %mul3A_251 = arith.mulf %select_n3A_247, %get3A_250 : vector<16xf32>
            %get3A_252 = arith.index_cast %scan3A_121 : i32 to index
            %get3A_253 = arith.constant 96 : index
            %get3A_254 = tpu.vector_load %arg15[%get3A_252, %get3A_253] {strides = array<i32>} : memref<32x256xf32, #tpu.memory_space<vmem>>, vector<16xf32>,
            %mul3A_255 = arith.mulf %select_n3A_247, %get3A_254 : vector<16xf32>
            %swap3A_256 = arith.index_cast %squeeze3A : i32 to index
            %swap3A_257 = arith.constant 96 : index
            %swap3A_258 = tpu.vector_load %arg17[%swap3A_256, %swap3A_257] {strides = array<i32>} : memref<160x256xf32, #tpu.memory_space<vmem>>, vector<16xf32>,
            tpu.vector_store %arg17[%swap3A_256, %swap3A_257], %mul3A_251 {add = true, strides = array<i32>} : memref<160x256xf32, #tpu.memory_space<vmem>>, vector<16xf32>,
            %swap3A_259 = arith.index_cast %squeeze3A : i32 to index
            %swap3A_260 = arith.constant 96 : index
            %swap3A_261 = tpu.vector_load %arg18[%swap3A_259, %swap3A_260] {strides = array<i32>} : memref<160x256xf32, #tpu.memory_space<vmem>>, vector<16xf32>,
            tpu.vector_store %arg18[%swap3A_259, %swap3A_260], %mul3A_255 {add = true, strides = array<i32>} : memref<160x256xf32, #tpu.memory_space<vmem>>, vector<16xf32>,
            %add3A_262 = arith.addf %add3A_242, %mul3A_251 : vector<16xf32>
            %add3A_263 = arith.addf %add3A_243, %mul3A_255 : vector<16xf32>
            %get3A_264 = arith.index_cast %scan3A_121 : i32 to index
            %get3A_265 = arith.constant 112 : index
            %get3A_266 = tpu.vector_load %arg13[%get3A_264, %get3A_265] {strides = array<i32>} : memref<32x256xf32, #tpu.memory_space<vmem>>, vector<16xf32>,
            %select_n3A_267 = arith.select %lt3A, %get3A_266, %broadcast_in_dim3A_3 : vector<16xf32>
            %get3A_268 = arith.index_cast %scan3A_121 : i32 to index
            %get3A_269 = arith.constant 112 : index
            %get3A_270 = tpu.vector_load %arg14[%get3A_268, %get3A_269] {strides = array<i32>} : memref<32x256xf32, #tpu.memory_space<vmem>>, vector<16xf32>,
            %mul3A_271 = arith.mulf %select_n3A_267, %get3A_270 : vector<16xf32>
            %get3A_272 = arith.index_cast %scan3A_121 : i32 to index
            %get3A_273 = arith.constant 112 : index
            %get3A_274 = tpu.vector_load %arg15[%get3A_272, %get3A_273] {strides = array<i32>} : memref<32x256xf32, #tpu.memory_space<vmem>>, vector<16xf32>,
            %mul3A_275 = arith.mulf %select_n3A_267, %get3A_274 : vector<16xf32>
            %swap3A_276 = arith.index_cast %squeeze3A : i32 to index
            %swap3A_277 = arith.constant 112 : index
            %swap3A_278 = tpu.vector_load %arg17[%swap3A_276, %swap3A_277] {strides = array<i32>} : memref<160x256xf32, #tpu.memory_space<vmem>>, vector<16xf32>,
            tpu.vector_store %arg17[%swap3A_276, %swap3A_277], %mul3A_271 {add = true, strides = array<i32>} : memref<160x256xf32, #tpu.memory_space<vmem>>, vector<16xf32>,
            %swap3A_279 = arith.index_cast %squeeze3A : i32 to index
            %swap3A_280 = arith.constant 112 : index
            %swap3A_281 = tpu.vector_load %arg18[%swap3A_279, %swap3A_280] {strides = array<i32>} : memref<160x256xf32, #tpu.memory_space<vmem>>, vector<16xf32>,
            tpu.vector_store %arg18[%swap3A_279, %swap3A_280], %mul3A_275 {add = true, strides = array<i32>} : memref<160x256xf32, #tpu.memory_space<vmem>>, vector<16xf32>,
            %add3A_282 = arith.addf %add3A_262, %mul3A_271 : vector<16xf32>
            %add3A_283 = arith.addf %add3A_263, %mul3A_275 : vector<16xf32>
            %get3A_284 = arith.index_cast %scan3A_121 : i32 to index
            %get3A_285 = arith.constant 128 : index
            %get3A_286 = tpu.vector_load %arg13[%get3A_284, %get3A_285] {strides = array<i32>} : memref<32x256xf32, #tpu.memory_space<vmem>>, vector<16xf32>,
            %select_n3A_287 = arith.select %lt3A, %get3A_286, %broadcast_in_dim3A_3 : vector<16xf32>
            %get3A_288 = arith.index_cast %scan3A_121 : i32 to index
            %get3A_289 = arith.constant 128 : index
            %get3A_290 = tpu.vector_load %arg14[%get3A_288, %get3A_289] {strides = array<i32>} : memref<32x256xf32, #tpu.memory_space<vmem>>, vector<16xf32>,
            %mul3A_291 = arith.mulf %select_n3A_287, %get3A_290 : vector<16xf32>
            %get3A_292 = arith.index_cast %scan3A_121 : i32 to index
            %get3A_293 = arith.constant 128 : index
            %get3A_294 = tpu.vector_load %arg15[%get3A_292, %get3A_293] {strides = array<i32>} : memref<32x256xf32, #tpu.memory_space<vmem>>, vector<16xf32>,
            %mul3A_295 = arith.mulf %select_n3A_287, %get3A_294 : vector<16xf32>
            %swap3A_296 = arith.index_cast %squeeze3A : i32 to index
            %swap3A_297 = arith.constant 128 : index
            %swap3A_298 = tpu.vector_load %arg17[%swap3A_296, %swap3A_297] {strides = array<i32>} : memref<160x256xf32, #tpu.memory_space<vmem>>, vector<16xf32>,
            tpu.vector_store %arg17[%swap3A_296, %swap3A_297], %mul3A_291 {add = true, strides = array<i32>} : memref<160x256xf32, #tpu.memory_space<vmem>>, vector<16xf32>,
            %swap3A_299 = arith.index_cast %squeeze3A : i32 to index
            %swap3A_300 = arith.constant 128 : index
            %swap3A_301 = tpu.vector_load %arg18[%swap3A_299, %swap3A_300] {strides = array<i32>} : memref<160x256xf32, #tpu.memory_space<vmem>>, vector<16xf32>,
            tpu.vector_store %arg18[%swap3A_299, %swap3A_300], %mul3A_295 {add = true, strides = array<i32>} : memref<160x256xf32, #tpu.memory_space<vmem>>, vector<16xf32>,
            %add3A_302 = arith.addf %add3A_282, %mul3A_291 : vector<16xf32>
            %add3A_303 = arith.addf %add3A_283, %mul3A_295 : vector<16xf32>
            %get3A_304 = arith.index_cast %scan3A_121 : i32 to index
            %get3A_305 = arith.constant 144 : index
            %get3A_306 = tpu.vector_load %arg13[%get3A_304, %get3A_305] {strides = array<i32>} : memref<32x256xf32, #tpu.memory_space<vmem>>, vector<16xf32>,
            %select_n3A_307 = arith.select %lt3A, %get3A_306, %broadcast_in_dim3A_3 : vector<16xf32>
            %get3A_308 = arith.index_cast %scan3A_121 : i32 to index
            %get3A_309 = arith.constant 144 : index
            %get3A_310 = tpu.vector_load %arg14[%get3A_308, %get3A_309] {strides = array<i32>} : memref<32x256xf32, #tpu.memory_space<vmem>>, vector<16xf32>,
            %mul3A_311 = arith.mulf %select_n3A_307, %get3A_310 : vector<16xf32>
            %get3A_312 = arith.index_cast %scan3A_121 : i32 to index
            %get3A_313 = arith.constant 144 : index
            %get3A_314 = tpu.vector_load %arg15[%get3A_312, %get3A_313] {strides = array<i32>} : memref<32x256xf32, #tpu.memory_space<vmem>>, vector<16xf32>,
            %mul3A_315 = arith.mulf %select_n3A_307, %get3A_314 : vector<16xf32>
            %swap3A_316 = arith.index_cast %squeeze3A : i32 to index
            %swap3A_317 = arith.constant 144 : index
            %swap3A_318 = tpu.vector_load %arg17[%swap3A_316, %swap3A_317] {strides = array<i32>} : memref<160x256xf32, #tpu.memory_space<vmem>>, vector<16xf32>,
            tpu.vector_store %arg17[%swap3A_316, %swap3A_317], %mul3A_311 {add = true, strides = array<i32>} : memref<160x256xf32, #tpu.memory_space<vmem>>, vector<16xf32>,
            %swap3A_319 = arith.index_cast %squeeze3A : i32 to index
            %swap3A_320 = arith.constant 144 : index
            %swap3A_321 = tpu.vector_load %arg18[%swap3A_319, %swap3A_320] {strides = array<i32>} : memref<160x256xf32, #tpu.memory_space<vmem>>, vector<16xf32>,
            tpu.vector_store %arg18[%swap3A_319, %swap3A_320], %mul3A_315 {add = true, strides = array<i32>} : memref<160x256xf32, #tpu.memory_space<vmem>>, vector<16xf32>,
            %add3A_322 = arith.addf %add3A_302, %mul3A_311 : vector<16xf32>
            %add3A_323 = arith.addf %add3A_303, %mul3A_315 : vector<16xf32>
            %get3A_324 = arith.index_cast %scan3A_121 : i32 to index
            %get3A_325 = arith.constant 160 : index
            %get3A_326 = tpu.vector_load %arg13[%get3A_324, %get3A_325] {strides = array<i32>} : memref<32x256xf32, #tpu.memory_space<vmem>>, vector<16xf32>,
            %select_n3A_327 = arith.select %lt3A, %get3A_326, %broadcast_in_dim3A_3 : vector<16xf32>
            %get3A_328 = arith.index_cast %scan3A_121 : i32 to index
            %get3A_329 = arith.constant 160 : index
            %get3A_330 = tpu.vector_load %arg14[%get3A_328, %get3A_329] {strides = array<i32>} : memref<32x256xf32, #tpu.memory_space<vmem>>, vector<16xf32>,
            %mul3A_331 = arith.mulf %select_n3A_327, %get3A_330 : vector<16xf32>
            %get3A_332 = arith.index_cast %scan3A_121 : i32 to index
            %get3A_333 = arith.constant 160 : index
            %get3A_334 = tpu.vector_load %arg15[%get3A_332, %get3A_333] {strides = array<i32>} : memref<32x256xf32, #tpu.memory_space<vmem>>, vector<16xf32>,
            %mul3A_335 = arith.mulf %select_n3A_327, %get3A_334 : vector<16xf32>
            %swap3A_336 = arith.index_cast %squeeze3A : i32 to index
            %swap3A_337 = arith.constant 160 : index
            %swap3A_338 = tpu.vector_load %arg17[%swap3A_336, %swap3A_337] {strides = array<i32>} : memref<160x256xf32, #tpu.memory_space<vmem>>, vector<16xf32>,
            tpu.vector_store %arg17[%swap3A_336, %swap3A_337], %mul3A_331 {add = true, strides = array<i32>} : memref<160x256xf32, #tpu.memory_space<vmem>>, vector<16xf32>,
            %swap3A_339 = arith.index_cast %squeeze3A : i32 to index
            %swap3A_340 = arith.constant 160 : index
            %swap3A_341 = tpu.vector_load %arg18[%swap3A_339, %swap3A_340] {strides = array<i32>} : memref<160x256xf32, #tpu.memory_space<vmem>>, vector<16xf32>,
            tpu.vector_store %arg18[%swap3A_339, %swap3A_340], %mul3A_335 {add = true, strides = array<i32>} : memref<160x256xf32, #tpu.memory_space<vmem>>, vector<16xf32>,
            %add3A_342 = arith.addf %add3A_322, %mul3A_331 : vector<16xf32>
            %add3A_343 = arith.addf %add3A_323, %mul3A_335 : vector<16xf32>
            %get3A_344 = arith.index_cast %scan3A_121 : i32 to index
            %get3A_345 = arith.constant 176 : index
            %get3A_346 = tpu.vector_load %arg13[%get3A_344, %get3A_345] {strides = array<i32>} : memref<32x256xf32, #tpu.memory_space<vmem>>, vector<16xf32>,
            %select_n3A_347 = arith.select %lt3A, %get3A_346, %broadcast_in_dim3A_3 : vector<16xf32>
            %get3A_348 = arith.index_cast %scan3A_121 : i32 to index
            %get3A_349 = arith.constant 176 : index
            %get3A_350 = tpu.vector_load %arg14[%get3A_348, %get3A_349] {strides = array<i32>} : memref<32x256xf32, #tpu.memory_space<vmem>>, vector<16xf32>,
            %mul3A_351 = arith.mulf %select_n3A_347, %get3A_350 : vector<16xf32>
            %get3A_352 = arith.index_cast %scan3A_121 : i32 to index
            %get3A_353 = arith.constant 176 : index
            %get3A_354 = tpu.vector_load %arg15[%get3A_352, %get3A_353] {strides = array<i32>} : memref<32x256xf32, #tpu.memory_space<vmem>>, vector<16xf32>,
            %mul3A_355 = arith.mulf %select_n3A_347, %get3A_354 : vector<16xf32>
            %swap3A_356 = arith.index_cast %squeeze3A : i32 to index
            %swap3A_357 = arith.constant 176 : index
            %swap3A_358 = tpu.vector_load %arg17[%swap3A_356, %swap3A_357] {strides = array<i32>} : memref<160x256xf32, #tpu.memory_space<vmem>>, vector<16xf32>,
            tpu.vector_store %arg17[%swap3A_356, %swap3A_357], %mul3A_351 {add = true, strides = array<i32>} : memref<160x256xf32, #tpu.memory_space<vmem>>, vector<16xf32>,
            %swap3A_359 = arith.index_cast %squeeze3A : i32 to index
            %swap3A_360 = arith.constant 176 : index
            %swap3A_361 = tpu.vector_load %arg18[%swap3A_359, %swap3A_360] {strides = array<i32>} : memref<160x256xf32, #tpu.memory_space<vmem>>, vector<16xf32>,
            tpu.vector_store %arg18[%swap3A_359, %swap3A_360], %mul3A_355 {add = true, strides = array<i32>} : memref<160x256xf32, #tpu.memory_space<vmem>>, vector<16xf32>,
            %add3A_362 = arith.addf %add3A_342, %mul3A_351 : vector<16xf32>
            %add3A_363 = arith.addf %add3A_343, %mul3A_355 : vector<16xf32>
            %get3A_364 = arith.index_cast %scan3A_121 : i32 to index
            %get3A_365 = arith.constant 192 : index
            %get3A_366 = tpu.vector_load %arg13[%get3A_364, %get3A_365] {strides = array<i32>} : memref<32x256xf32, #tpu.memory_space<vmem>>, vector<16xf32>,
            %select_n3A_367 = arith.select %lt3A, %get3A_366, %broadcast_in_dim3A_3 : vector<16xf32>
            %get3A_368 = arith.index_cast %scan3A_121 : i32 to index
            %get3A_369 = arith.constant 192 : index
            %get3A_370 = tpu.vector_load %arg14[%get3A_368, %get3A_369] {strides = array<i32>} : memref<32x256xf32, #tpu.memory_space<vmem>>, vector<16xf32>,
            %mul3A_371 = arith.mulf %select_n3A_367, %get3A_370 : vector<16xf32>
            %get3A_372 = arith.index_cast %scan3A_121 : i32 to index
            %get3A_373 = arith.constant 192 : index
            %get3A_374 = tpu.vector_load %arg15[%get3A_372, %get3A_373] {strides = array<i32>} : memref<32x256xf32, #tpu.memory_space<vmem>>, vector<16xf32>,
            %mul3A_375 = arith.mulf %select_n3A_367, %get3A_374 : vector<16xf32>
            %swap3A_376 = arith.index_cast %squeeze3A : i32 to index
            %swap3A_377 = arith.constant 192 : index
            %swap3A_378 = tpu.vector_load %arg17[%swap3A_376, %swap3A_377] {strides = array<i32>} : memref<160x256xf32, #tpu.memory_space<vmem>>, vector<16xf32>,
            tpu.vector_store %arg17[%swap3A_376, %swap3A_377], %mul3A_371 {add = true, strides = array<i32>} : memref<160x256xf32, #tpu.memory_space<vmem>>, vector<16xf32>,
            %swap3A_379 = arith.index_cast %squeeze3A : i32 to index
            %swap3A_380 = arith.constant 192 : index
            %swap3A_381 = tpu.vector_load %arg18[%swap3A_379, %swap3A_380] {strides = array<i32>} : memref<160x256xf32, #tpu.memory_space<vmem>>, vector<16xf32>,
            tpu.vector_store %arg18[%swap3A_379, %swap3A_380], %mul3A_375 {add = true, strides = array<i32>} : memref<160x256xf32, #tpu.memory_space<vmem>>, vector<16xf32>,
            %add3A_382 = arith.addf %add3A_362, %mul3A_371 : vector<16xf32>
            %add3A_383 = arith.addf %add3A_363, %mul3A_375 : vector<16xf32>
            %get3A_384 = arith.index_cast %scan3A_121 : i32 to index
            %get3A_385 = arith.constant 208 : index
            %get3A_386 = tpu.vector_load %arg13[%get3A_384, %get3A_385] {strides = array<i32>} : memref<32x256xf32, #tpu.memory_space<vmem>>, vector<16xf32>,
            %select_n3A_387 = arith.select %lt3A, %get3A_386, %broadcast_in_dim3A_3 : vector<16xf32>
            %get3A_388 = arith.index_cast %scan3A_121 : i32 to index
            %get3A_389 = arith.constant 208 : index
            %get3A_390 = tpu.vector_load %arg14[%get3A_388, %get3A_389] {strides = array<i32>} : memref<32x256xf32, #tpu.memory_space<vmem>>, vector<16xf32>,
            %mul3A_391 = arith.mulf %select_n3A_387, %get3A_390 : vector<16xf32>
            %get3A_392 = arith.index_cast %scan3A_121 : i32 to index
            %get3A_393 = arith.constant 208 : index
            %get3A_394 = tpu.vector_load %arg15[%get3A_392, %get3A_393] {strides = array<i32>} : memref<32x256xf32, #tpu.memory_space<vmem>>, vector<16xf32>,
            %mul3A_395 = arith.mulf %select_n3A_387, %get3A_394 : vector<16xf32>
            %swap3A_396 = arith.index_cast %squeeze3A : i32 to index
            %swap3A_397 = arith.constant 208 : index
            %swap3A_398 = tpu.vector_load %arg17[%swap3A_396, %swap3A_397] {strides = array<i32>} : memref<160x256xf32, #tpu.memory_space<vmem>>, vector<16xf32>,
            tpu.vector_store %arg17[%swap3A_396, %swap3A_397], %mul3A_391 {add = true, strides = array<i32>} : memref<160x256xf32, #tpu.memory_space<vmem>>, vector<16xf32>,
            %swap3A_399 = arith.index_cast %squeeze3A : i32 to index
            %swap3A_400 = arith.constant 208 : index
            %swap3A_401 = tpu.vector_load %arg18[%swap3A_399, %swap3A_400] {strides = array<i32>} : memref<160x256xf32, #tpu.memory_space<vmem>>, vector<16xf32>,
            tpu.vector_store %arg18[%swap3A_399, %swap3A_400], %mul3A_395 {add = true, strides = array<i32>} : memref<160x256xf32, #tpu.memory_space<vmem>>, vector<16xf32>,
            %add3A_402 = arith.addf %add3A_382, %mul3A_391 : vector<16xf32>
            %add3A_403 = arith.addf %add3A_383, %mul3A_395 : vector<16xf32>
            %get3A_404 = arith.index_cast %scan3A_121 : i32 to index
            %get3A_405 = arith.constant 224 : index
            %get3A_406 = tpu.vector_load %arg13[%get3A_404, %get3A_405] {strides = array<i32>} : memref<32x256xf32, #tpu.memory_space<vmem>>, vector<16xf32>,
            %select_n3A_407 = arith.select %lt3A, %get3A_406, %broadcast_in_dim3A_3 : vector<16xf32>
            %get3A_408 = arith.index_cast %scan3A_121 : i32 to index
            %get3A_409 = arith.constant 224 : index
            %get3A_410 = tpu.vector_load %arg14[%get3A_408, %get3A_409] {strides = array<i32>} : memref<32x256xf32, #tpu.memory_space<vmem>>, vector<16xf32>,
            %mul3A_411 = arith.mulf %select_n3A_407, %get3A_410 : vector<16xf32>
            %get3A_412 = arith.index_cast %scan3A_121 : i32 to index
            %get3A_413 = arith.constant 224 : index
            %get3A_414 = tpu.vector_load %arg15[%get3A_412, %get3A_413] {strides = array<i32>} : memref<32x256xf32, #tpu.memory_space<vmem>>, vector<16xf32>,
            %mul3A_415 = arith.mulf %select_n3A_407, %get3A_414 : vector<16xf32>
            %swap3A_416 = arith.index_cast %squeeze3A : i32 to index
            %swap3A_417 = arith.constant 224 : index
            %swap3A_418 = tpu.vector_load %arg17[%swap3A_416, %swap3A_417] {strides = array<i32>} : memref<160x256xf32, #tpu.memory_space<vmem>>, vector<16xf32>,
            tpu.vector_store %arg17[%swap3A_416, %swap3A_417], %mul3A_411 {add = true, strides = array<i32>} : memref<160x256xf32, #tpu.memory_space<vmem>>, vector<16xf32>,
            %swap3A_419 = arith.index_cast %squeeze3A : i32 to index
            %swap3A_420 = arith.constant 224 : index
            %swap3A_421 = tpu.vector_load %arg18[%swap3A_419, %swap3A_420] {strides = array<i32>} : memref<160x256xf32, #tpu.memory_space<vmem>>, vector<16xf32>,
            tpu.vector_store %arg18[%swap3A_419, %swap3A_420], %mul3A_415 {add = true, strides = array<i32>} : memref<160x256xf32, #tpu.memory_space<vmem>>, vector<16xf32>,
            %add3A_422 = arith.addf %add3A_402, %mul3A_411 : vector<16xf32>
            %add3A_423 = arith.addf %add3A_403, %mul3A_415 : vector<16xf32>
            %get3A_424 = arith.index_cast %scan3A_121 : i32 to index
            %get3A_425 = arith.constant 240 : index
            %get3A_426 = tpu.vector_load %arg13[%get3A_424, %get3A_425] {strides = array<i32>} : memref<32x256xf32, #tpu.memory_space<vmem>>, vector<16xf32>,
            %select_n3A_427 = arith.select %lt3A, %get3A_426, %broadcast_in_dim3A_3 : vector<16xf32>
            %get3A_428 = arith.index_cast %scan3A_121 : i32 to index
            %get3A_429 = arith.constant 240 : index
            %get3A_430 = tpu.vector_load %arg14[%get3A_428, %get3A_429] {strides = array<i32>} : memref<32x256xf32, #tpu.memory_space<vmem>>, vector<16xf32>,
            %mul3A_431 = arith.mulf %select_n3A_427, %get3A_430 : vector<16xf32>
            %get3A_432 = arith.index_cast %scan3A_121 : i32 to index
            %get3A_433 = arith.constant 240 : index
            %get3A_434 = tpu.vector_load %arg15[%get3A_432, %get3A_433] {strides = array<i32>} : memref<32x256xf32, #tpu.memory_space<vmem>>, vector<16xf32>,
            %mul3A_435 = arith.mulf %select_n3A_427, %get3A_434 : vector<16xf32>
            %swap3A_436 = arith.index_cast %squeeze3A : i32 to index
            %swap3A_437 = arith.constant 240 : index
            %swap3A_438 = tpu.vector_load %arg17[%swap3A_436, %swap3A_437] {strides = array<i32>} : memref<160x256xf32, #tpu.memory_space<vmem>>, vector<16xf32>,
            tpu.vector_store %arg17[%swap3A_436, %swap3A_437], %mul3A_431 {add = true, strides = array<i32>} : memref<160x256xf32, #tpu.memory_space<vmem>>, vector<16xf32>,
            %swap3A_439 = arith.index_cast %squeeze3A : i32 to index
            %swap3A_440 = arith.constant 240 : index
            %swap3A_441 = tpu.vector_load %arg18[%swap3A_439, %swap3A_440] {strides = array<i32>} : memref<160x256xf32, #tpu.memory_space<vmem>>, vector<16xf32>,
            tpu.vector_store %arg18[%swap3A_439, %swap3A_440], %mul3A_435 {add = true, strides = array<i32>} : memref<160x256xf32, #tpu.memory_space<vmem>>, vector<16xf32>,
            %add3A_442 = arith.addf %add3A_422, %mul3A_431 : vector<16xf32>
            %add3A_443 = arith.addf %add3A_423, %mul3A_435 : vector<16xf32>
            %get3A_444 = arith.index_cast %scan3A_121 : i32 to index
            %get3A_445 = arith.constant 0 : index
            %get3A_446 = tpu.vector_load %arg16[%get3A_444, %get3A_445] {strides = array<i32>} : memref<32x128xf32, #tpu.memory_space<vmem>>, vector<16xf32>,
            %mul3A_447 = arith.constant 32 : i32
            %mul3A_448 = arith.muli %squeeze3A, %mul3A_447 : i32
            %reduce_sum3A = arith.constant true
            %reduce_sum3A_449 = vector.broadcast %reduce_sum3A : i1 to vector<16xi1>
            %reduce_sum3A_450 = tpu.scan <sum>, %add3A_442 masked %reduce_sum3A_449 : vector<16xf32>, vector<16xi1> -> vector<16xf32>
            %reduce_sum3A_451 = vector.extract %reduce_sum3A_450[15] : f32 from vector<16xf32>
            %mul3A_452 = vector.broadcast %reduce_sum3A_451 : f32 to vector<16xf32>
            %mul3A_453 = arith.mulf %get3A_446, %mul3A_452 : vector<16xf32>
            %swap3A_454 = arith.index_cast %mul3A_448 : i32 to index
            %swap3A_455 = tpu.vector_load %arg19[%swap3A_454] {strides = array<i32>} : memref<5120xf32, #tpu.memory_space<vmem>>, vector<16xf32>,
            tpu.vector_store %arg19[%swap3A_454], %mul3A_453 {add = true, strides = array<i32>} : memref<5120xf32, #tpu.memory_space<vmem>>, vector<16xf32>,
            %mul3A_456 = arith.constant 32 : i32
            %mul3A_457 = arith.muli %squeeze3A, %mul3A_456 : i32
            %add3A_458 = arith.constant 16 : i32
            %add3A_459 = arith.addi %mul3A_457, %add3A_458 : i32
            %reduce_sum3A_460 = arith.constant true
            %reduce_sum3A_461 = vector.broadcast %reduce_sum3A_460 : i1 to vector<16xi1>
            %reduce_sum3A_462 = tpu.scan <sum>, %add3A_443 masked %reduce_sum3A_461 : vector<16xf32>, vector<16xi1> -> vector<16xf32>
            %reduce_sum3A_463 = vector.extract %reduce_sum3A_462[15] : f32 from vector<16xf32>
            %mul3A_464 = vector.broadcast %reduce_sum3A_463 : f32 to vector<16xf32>
            %mul3A_465 = arith.mulf %get3A_446, %mul3A_464 : vector<16xf32>
            %swap3A_466 = arith.index_cast %add3A_459 : i32 to index
            %swap3A_467 = tpu.vector_load %arg19[%swap3A_466] {strides = array<i32>} : memref<5120xf32, #tpu.memory_space<vmem>>, vector<16xf32>,
            tpu.vector_store %arg19[%swap3A_466], %mul3A_465 {add = true, strides = array<i32>} : memref<5120xf32, #tpu.memory_space<vmem>>, vector<16xf32>,
          }
          %scan3A_120 = arith.constant 32 : i32
        }
        %while3A_73 = arith.constant 1 : i32
        scf.for %while3A_74 = %while3A_71 to %while3A_67 step %while3A_73  : i32 {
          %mul3A_75 = arith.constant 32 : i32
          %mul3A_76 = arith.muli %while3A_74, %mul3A_75 : i32
          %dma_start3A = tpu.memref_slice %arg11[%mul3A_76] : memref<2048xi32, #tpu.memory_space<vmem>> -> memref<32xi32, #tpu.memory_space<vmem>>
          %dma_start3A_77 = arith.constant 0 : i32
          %dma_start3A_78 = arith.constant 0 : i32
          %dma_start3A_79 = tpu.memref_slice %arg3[%dma_start3A_77, %dma_start3A_78] : memref<160000x256xf32, #tpu.memory_space<hbm>> -> memref<160000x256xf32, #tpu.memory_space<hbm>>
          tpu.enqueue_indirect_dma source(%dma_start3A_79 : memref<160000x256xf32, #tpu.memory_space<hbm>>) target(%arg13 : memref<32x256xf32, #tpu.memory_space<vmem>>) offsets(%dma_start3A : memref<32xi32, #tpu.memory_space<vmem>>) semaphore(%arg20 : memref<!tpu.dma_semaphore, #tpu.memory_space<semaphore_mem>>)
          %dma_start3A_80 = tpu.memref_slice %arg11[%mul3A_76] : memref<2048xi32, #tpu.memory_space<vmem>> -> memref<32xi32, #tpu.memory_space<vmem>>
          %dma_start3A_81 = arith.constant 0 : i32
          %dma_start3A_82 = arith.constant 0 : i32
          %dma_start3A_83 = tpu.memref_slice %arg6[%dma_start3A_81, %dma_start3A_82] : memref<160000x128xf32, #tpu.memory_space<hbm>> -> memref<160000x128xf32, #tpu.memory_space<hbm>>
          tpu.enqueue_indirect_dma source(%dma_start3A_83 : memref<160000x128xf32, #tpu.memory_space<hbm>>) target(%arg16 : memref<32x128xf32, #tpu.memory_space<vmem>>) offsets(%dma_start3A_80 : memref<32xi32, #tpu.memory_space<vmem>>) semaphore(%arg20 : memref<!tpu.dma_semaphore, #tpu.memory_space<semaphore_mem>>)
          %dma_start3A_84 = tpu.memref_slice %arg12[%mul3A_76] : memref<2048xi32, #tpu.memory_space<vmem>> -> memref<32xi32, #tpu.memory_space<vmem>>
          %dma_start3A_85 = arith.constant 0 : i32
          %dma_start3A_86 = tpu.memref_slice %arg4[%add3A_14, %dma_start3A_85] : memref<10240x256xf32, #tpu.memory_space<hbm>> -> memref<160x256xf32, #tpu.memory_space<hbm>>
          %dma_start3A_87 = arith.constant 0 : i32
          %dma_start3A_88 = arith.constant 0 : i32
          %dma_start3A_89 = tpu.memref_slice %dma_start3A_86[%dma_start3A_87, %dma_start3A_88] : memref<160x256xf32, #tpu.memory_space<hbm>> -> memref<160x256xf32, #tpu.memory_space<hbm>>
          tpu.enqueue_indirect_dma source(%dma_start3A_89 : memref<160x256xf32, #tpu.memory_space<hbm>>) target(%arg14 : memref<32x256xf32, #tpu.memory_space<vmem>>) offsets(%dma_start3A_84 : memref<32xi32, #tpu.memory_space<vmem>>) semaphore(%arg20 : memref<!tpu.dma_semaphore, #tpu.memory_space<semaphore_mem>>)
          %dma_start3A_90 = tpu.memref_slice %arg12[%mul3A_76] : memref<2048xi32, #tpu.memory_space<vmem>> -> memref<32xi32, #tpu.memory_space<vmem>>
          %dma_start3A_91 = arith.constant 0 : i32
          %dma_start3A_92 = tpu.memref_slice %arg5[%add3A_14, %dma_start3A_91] : memref<10240x256xf32, #tpu.memory_space<hbm>> -> memref<160x256xf32, #tpu.memory_space<hbm>>
          %dma_start3A_93 = arith.constant 0 : i32
          %dma_start3A_94 = arith.constant 0 : i32
          %dma_start3A_95 = tpu.memref_slice %dma_start3A_92[%dma_start3A_93, %dma_start3A_94] : memref<160x256xf32, #tpu.memory_space<hbm>> -> memref<160x256xf32, #tpu.memory_space<hbm>>
          tpu.enqueue_indirect_dma source(%dma_start3A_95 : memref<160x256xf32, #tpu.memory_space<hbm>>) target(%arg15 : memref<32x256xf32, #tpu.memory_space<vmem>>) offsets(%dma_start3A_90 : memref<32xi32, #tpu.memory_space<vmem>>) semaphore(%arg20 : memref<!tpu.dma_semaphore, #tpu.memory_space<semaphore_mem>>)
          %dma_wait3A = tpu.memref_slice %arg11[%mul3A_76] : memref<2048xi32, #tpu.memory_space<vmem>> -> memref<32xi32, #tpu.memory_space<vmem>>
          %dma_wait3A_96 = arith.constant 0 : i32
          %dma_wait3A_97 = arith.constant 0 : i32
          %dma_wait3A_98 = tpu.memref_slice %arg3[%dma_wait3A_96, %dma_wait3A_97] : memref<160000x256xf32, #tpu.memory_space<hbm>> -> memref<160000x256xf32, #tpu.memory_space<hbm>>
          tpu.wait_indirect_dma semaphore(%arg20 : memref<!tpu.dma_semaphore, #tpu.memory_space<semaphore_mem>>) src(%dma_wait3A_98 : memref<160000x256xf32, #tpu.memory_space<hbm>>) dst(%arg13 : memref<32x256xf32, #tpu.memory_space<vmem>>)
          %dma_wait3A_99 = tpu.memref_slice %arg11[%mul3A_76] : memref<2048xi32, #tpu.memory_space<vmem>> -> memref<32xi32, #tpu.memory_space<vmem>>
          %dma_wait3A_100 = arith.constant 0 : i32
          %dma_wait3A_101 = arith.constant 0 : i32
          %dma_wait3A_102 = tpu.memref_slice %arg6[%dma_wait3A_100, %dma_wait3A_101] : memref<160000x128xf32, #tpu.memory_space<hbm>> -> memref<160000x128xf32, #tpu.memory_space<hbm>>
          tpu.wait_indirect_dma semaphore(%arg20 : memref<!tpu.dma_semaphore, #tpu.memory_space<semaphore_mem>>) src(%dma_wait3A_102 : memref<160000x128xf32, #tpu.memory_space<hbm>>) dst(%arg16 : memref<32x128xf32, #tpu.memory_space<vmem>>)
          %dma_wait3A_103 = tpu.memref_slice %arg12[%mul3A_76] : memref<2048xi32, #tpu.memory_space<vmem>> -> memref<32xi32, #tpu.memory_space<vmem>>
          %dma_wait3A_104 = arith.constant 0 : i32
          %dma_wait3A_105 = tpu.memref_slice %arg4[%add3A_14, %dma_wait3A_104] : memref<10240x256xf32, #tpu.memory_space<hbm>> -> memref<160x256xf32, #tpu.memory_space<hbm>>
          %dma_wait3A_106 = arith.constant 0 : i32
          %dma_wait3A_107 = arith.constant 0 : i32
          %dma_wait3A_108 = tpu.memref_slice %dma_wait3A_105[%dma_wait3A_106, %dma_wait3A_107] : memref<160x256xf32, #tpu.memory_space<hbm>> -> memref<160x256xf32, #tpu.memory_space<hbm>>
          tpu.wait_indirect_dma semaphore(%arg20 : memref<!tpu.dma_semaphore, #tpu.memory_space<semaphore_mem>>) src(%dma_wait3A_108 : memref<160x256xf32, #tpu.memory_space<hbm>>) dst(%arg14 : memref<32x256xf32, #tpu.memory_space<vmem>>)
          %dma_wait3A_109 = tpu.memref_slice %arg12[%mul3A_76] : memref<2048xi32, #tpu.memory_space<vmem>> -> memref<32xi32, #tpu.memory_space<vmem>>
          %dma_wait3A_110 = arith.constant 0 : i32
          %dma_wait3A_111 = tpu.memref_slice %arg5[%add3A_14, %dma_wait3A_110] : memref<10240x256xf32, #tpu.memory_space<hbm>> -> memref<160x256xf32, #tpu.memory_space<hbm>>
          %dma_wait3A_112 = arith.constant 0 : i32
          %dma_wait3A_113 = arith.constant 0 : i32
          %dma_wait3A_114 = tpu.memref_slice %dma_wait3A_111[%dma_wait3A_112, %dma_wait3A_113] : memref<160x256xf32, #tpu.memory_space<hbm>> -> memref<160x256xf32, #tpu.memory_space<hbm>>
          tpu.wait_indirect_dma semaphore(%arg20 : memref<!tpu.dma_semaphore, #tpu.memory_space<semaphore_mem>>) src(%dma_wait3A_114 : memref<160x256xf32, #tpu.memory_space<hbm>>) dst(%arg15 : memref<32x256xf32, #tpu.memory_space<vmem>>)
          %scan3A_115 = arith.constant 0 : i32
          %scan3A_116 = arith.constant 0 : i32
          %scan3A_117 = arith.constant 32 : i32
          %scan3A_118 = arith.addi %scan3A_116, %scan3A_117 : i32
          %scan3A_119 = arith.constant 1 : i32
          scf.for %scan3A_121 = %scan3A_116 to %scan3A_118 step %scan3A_119  : i32 {
            %add3A_122 = arith.addi %mul3A_76, %scan3A_121 : i32
            %get3A = arith.index_cast %add3A_122 : i32 to index
            %get3A_123 = tpu.vector_load %arg12[%get3A] {strides = array<i32>} : memref<2048xi32, #tpu.memory_space<vmem>>, vector<16xi32>,
            %slice3A = vector.extract_strided_slice %get3A_123 {offsets = [0], sizes = [1], strides = [1]} : vector<16xi32> to vector<1xi32>
            %squeeze3A = vector.extract %slice3A[0] : i32 from vector<1xi32>
            %add3A_124 = arith.addi %mul3A_76, %scan3A_121 : i32
            %lt3A = arith.cmpi slt, %add3A_124, %scan3A_40 : i32
            %get3A_125 = arith.index_cast %scan3A_121 : i32 to index
            %get3A_126 = arith.constant 0 : index
            %get3A_127 = tpu.vector_load %arg13[%get3A_125, %get3A_126] {strides = array<i32>} : memref<32x256xf32, #tpu.memory_space<vmem>>, vector<16xf32>,
            %select_n3A_128 = arith.select %lt3A, %get3A_127, %broadcast_in_dim3A_3 : vector<16xf32>
            %get3A_129 = arith.index_cast %scan3A_121 : i32 to index
            %get3A_130 = arith.constant 0 : index
            %get3A_131 = tpu.vector_load %arg14[%get3A_129, %get3A_130] {strides = array<i32>} : memref<32x256xf32, #tpu.memory_space<vmem>>, vector<16xf32>,
            %mul3A_132 = arith.mulf %select_n3A_128, %get3A_131 : vector<16xf32>
            %get3A_133 = arith.index_cast %scan3A_121 : i32 to index
            %get3A_134 = arith.constant 0 : index
            %get3A_135 = tpu.vector_load %arg15[%get3A_133, %get3A_134] {strides = array<i32>} : memref<32x256xf32, #tpu.memory_space<vmem>>, vector<16xf32>,
            %mul3A_136 = arith.mulf %select_n3A_128, %get3A_135 : vector<16xf32>
            %swap3A = arith.index_cast %squeeze3A : i32 to index
            %swap3A_137 = arith.constant 0 : index
            %swap3A_138 = tpu.vector_load %arg17[%swap3A, %swap3A_137] {strides = array<i32>} : memref<160x256xf32, #tpu.memory_space<vmem>>, vector<16xf32>,
            tpu.vector_store %arg17[%swap3A, %swap3A_137], %mul3A_132 {add = true, strides = array<i32>} : memref<160x256xf32, #tpu.memory_space<vmem>>, vector<16xf32>,
            %swap3A_139 = arith.index_cast %squeeze3A : i32 to index
            %swap3A_140 = arith.constant 0 : index
            %swap3A_141 = tpu.vector_load %arg18[%swap3A_139, %swap3A_140] {strides = array<i32>} : memref<160x256xf32, #tpu.memory_space<vmem>>, vector<16xf32>,
            tpu.vector_store %arg18[%swap3A_139, %swap3A_140], %mul3A_136 {add = true, strides = array<i32>} : memref<160x256xf32, #tpu.memory_space<vmem>>, vector<16xf32>,
            %add3A_142 = arith.addf %broadcast_in_dim3A_3, %mul3A_132 : vector<16xf32>
            %add3A_143 = arith.addf %broadcast_in_dim3A_3, %mul3A_136 : vector<16xf32>
            %get3A_144 = arith.index_cast %scan3A_121 : i32 to index
            %get3A_145 = arith.constant 16 : index
            %get3A_146 = tpu.vector_load %arg13[%get3A_144, %get3A_145] {strides = array<i32>} : memref<32x256xf32, #tpu.memory_space<vmem>>, vector<16xf32>,
            %select_n3A_147 = arith.select %lt3A, %get3A_146, %broadcast_in_dim3A_3 : vector<16xf32>
            %get3A_148 = arith.index_cast %scan3A_121 : i32 to index
            %get3A_149 = arith.constant 16 : index
            %get3A_150 = tpu.vector_load %arg14[%get3A_148, %get3A_149] {strides = array<i32>} : memref<32x256xf32, #tpu.memory_space<vmem>>, vector<16xf32>,
            %mul3A_151 = arith.mulf %select_n3A_147, %get3A_150 : vector<16xf32>
            %get3A_152 = arith.index_cast %scan3A_121 : i32 to index
            %get3A_153 = arith.constant 16 : index
            %get3A_154 = tpu.vector_load %arg15[%get3A_152, %get3A_153] {strides = array<i32>} : memref<32x256xf32, #tpu.memory_space<vmem>>, vector<16xf32>,
            %mul3A_155 = arith.mulf %select_n3A_147, %get3A_154 : vector<16xf32>
            %swap3A_156 = arith.index_cast %squeeze3A : i32 to index
            %swap3A_157 = arith.constant 16 : index
            %swap3A_158 = tpu.vector_load %arg17[%swap3A_156, %swap3A_157] {strides = array<i32>} : memref<160x256xf32, #tpu.memory_space<vmem>>, vector<16xf32>,
            tpu.vector_store %arg17[%swap3A_156, %swap3A_157], %mul3A_151 {add = true, strides = array<i32>} : memref<160x256xf32, #tpu.memory_space<vmem>>, vector<16xf32>,
            %swap3A_159 = arith.index_cast %squeeze3A : i32 to index
            %swap3A_160 = arith.constant 16 : index
            %swap3A_161 = tpu.vector_load %arg18[%swap3A_159, %swap3A_160] {strides = array<i32>} : memref<160x256xf32, #tpu.memory_space<vmem>>, vector<16xf32>,
            tpu.vector_store %arg18[%swap3A_159, %swap3A_160], %mul3A_155 {add = true, strides = array<i32>} : memref<160x256xf32, #tpu.memory_space<vmem>>, vector<16xf32>,
            %add3A_162 = arith.addf %add3A_142, %mul3A_151 : vector<16xf32>
            %add3A_163 = arith.addf %add3A_143, %mul3A_155 : vector<16xf32>
            %get3A_164 = arith.index_cast %scan3A_121 : i32 to index
            %get3A_165 = arith.constant 32 : index
            %get3A_166 = tpu.vector_load %arg13[%get3A_164, %get3A_165] {strides = array<i32>} : memref<32x256xf32, #tpu.memory_space<vmem>>, vector<16xf32>,
            %select_n3A_167 = arith.select %lt3A, %get3A_166, %broadcast_in_dim3A_3 : vector<16xf32>
            %get3A_168 = arith.index_cast %scan3A_121 : i32 to index
            %get3A_169 = arith.constant 32 : index
            %get3A_170 = tpu.vector_load %arg14[%get3A_168, %get3A_169] {strides = array<i32>} : memref<32x256xf32, #tpu.memory_space<vmem>>, vector<16xf32>,
            %mul3A_171 = arith.mulf %select_n3A_167, %get3A_170 : vector<16xf32>
            %get3A_172 = arith.index_cast %scan3A_121 : i32 to index
            %get3A_173 = arith.constant 32 : index
            %get3A_174 = tpu.vector_load %arg15[%get3A_172, %get3A_173] {strides = array<i32>} : memref<32x256xf32, #tpu.memory_space<vmem>>, vector<16xf32>,
            %mul3A_175 = arith.mulf %select_n3A_167, %get3A_174 : vector<16xf32>
            %swap3A_176 = arith.index_cast %squeeze3A : i32 to index
            %swap3A_177 = arith.constant 32 : index
            %swap3A_178 = tpu.vector_load %arg17[%swap3A_176, %swap3A_177] {strides = array<i32>} : memref<160x256xf32, #tpu.memory_space<vmem>>, vector<16xf32>,
            tpu.vector_store %arg17[%swap3A_176, %swap3A_177], %mul3A_171 {add = true, strides = array<i32>} : memref<160x256xf32, #tpu.memory_space<vmem>>, vector<16xf32>,
            %swap3A_179 = arith.index_cast %squeeze3A : i32 to index
            %swap3A_180 = arith.constant 32 : index
            %swap3A_181 = tpu.vector_load %arg18[%swap3A_179, %swap3A_180] {strides = array<i32>} : memref<160x256xf32, #tpu.memory_space<vmem>>, vector<16xf32>,
            tpu.vector_store %arg18[%swap3A_179, %swap3A_180], %mul3A_175 {add = true, strides = array<i32>} : memref<160x256xf32, #tpu.memory_space<vmem>>, vector<16xf32>,
            %add3A_182 = arith.addf %add3A_162, %mul3A_171 : vector<16xf32>
            %add3A_183 = arith.addf %add3A_163, %mul3A_175 : vector<16xf32>
            %get3A_184 = arith.index_cast %scan3A_121 : i32 to index
            %get3A_185 = arith.constant 48 : index
            %get3A_186 = tpu.vector_load %arg13[%get3A_184, %get3A_185] {strides = array<i32>} : memref<32x256xf32, #tpu.memory_space<vmem>>, vector<16xf32>,
            %select_n3A_187 = arith.select %lt3A, %get3A_186, %broadcast_in_dim3A_3 : vector<16xf32>
            %get3A_188 = arith.index_cast %scan3A_121 : i32 to index
            %get3A_189 = arith.constant 48 : index
            %get3A_190 = tpu.vector_load %arg14[%get3A_188, %get3A_189] {strides = array<i32>} : memref<32x256xf32, #tpu.memory_space<vmem>>, vector<16xf32>,
            %mul3A_191 = arith.mulf %select_n3A_187, %get3A_190 : vector<16xf32>
            %get3A_192 = arith.index_cast %scan3A_121 : i32 to index
            %get3A_193 = arith.constant 48 : index
            %get3A_194 = tpu.vector_load %arg15[%get3A_192, %get3A_193] {strides = array<i32>} : memref<32x256xf32, #tpu.memory_space<vmem>>, vector<16xf32>,
            %mul3A_195 = arith.mulf %select_n3A_187, %get3A_194 : vector<16xf32>
            %swap3A_196 = arith.index_cast %squeeze3A : i32 to index
            %swap3A_197 = arith.constant 48 : index
            %swap3A_198 = tpu.vector_load %arg17[%swap3A_196, %swap3A_197] {strides = array<i32>} : memref<160x256xf32, #tpu.memory_space<vmem>>, vector<16xf32>,
            tpu.vector_store %arg17[%swap3A_196, %swap3A_197], %mul3A_191 {add = true, strides = array<i32>} : memref<160x256xf32, #tpu.memory_space<vmem>>, vector<16xf32>,
            %swap3A_199 = arith.index_cast %squeeze3A : i32 to index
            %swap3A_200 = arith.constant 48 : index
            %swap3A_201 = tpu.vector_load %arg18[%swap3A_199, %swap3A_200] {strides = array<i32>} : memref<160x256xf32, #tpu.memory_space<vmem>>, vector<16xf32>,
            tpu.vector_store %arg18[%swap3A_199, %swap3A_200], %mul3A_195 {add = true, strides = array<i32>} : memref<160x256xf32, #tpu.memory_space<vmem>>, vector<16xf32>,
            %add3A_202 = arith.addf %add3A_182, %mul3A_191 : vector<16xf32>
            %add3A_203 = arith.addf %add3A_183, %mul3A_195 : vector<16xf32>
            %get3A_204 = arith.index_cast %scan3A_121 : i32 to index
            %get3A_205 = arith.constant 64 : index
            %get3A_206 = tpu.vector_load %arg13[%get3A_204, %get3A_205] {strides = array<i32>} : memref<32x256xf32, #tpu.memory_space<vmem>>, vector<16xf32>,
            %select_n3A_207 = arith.select %lt3A, %get3A_206, %broadcast_in_dim3A_3 : vector<16xf32>
            %get3A_208 = arith.index_cast %scan3A_121 : i32 to index
            %get3A_209 = arith.constant 64 : index
            %get3A_210 = tpu.vector_load %arg14[%get3A_208, %get3A_209] {strides = array<i32>} : memref<32x256xf32, #tpu.memory_space<vmem>>, vector<16xf32>,
            %mul3A_211 = arith.mulf %select_n3A_207, %get3A_210 : vector<16xf32>
            %get3A_212 = arith.index_cast %scan3A_121 : i32 to index
            %get3A_213 = arith.constant 64 : index
            %get3A_214 = tpu.vector_load %arg15[%get3A_212, %get3A_213] {strides = array<i32>} : memref<32x256xf32, #tpu.memory_space<vmem>>, vector<16xf32>,
            %mul3A_215 = arith.mulf %select_n3A_207, %get3A_214 : vector<16xf32>
            %swap3A_216 = arith.index_cast %squeeze3A : i32 to index
            %swap3A_217 = arith.constant 64 : index
            %swap3A_218 = tpu.vector_load %arg17[%swap3A_216, %swap3A_217] {strides = array<i32>} : memref<160x256xf32, #tpu.memory_space<vmem>>, vector<16xf32>,
            tpu.vector_store %arg17[%swap3A_216, %swap3A_217], %mul3A_211 {add = true, strides = array<i32>} : memref<160x256xf32, #tpu.memory_space<vmem>>, vector<16xf32>,
            %swap3A_219 = arith.index_cast %squeeze3A : i32 to index
            %swap3A_220 = arith.constant 64 : index
            %swap3A_221 = tpu.vector_load %arg18[%swap3A_219, %swap3A_220] {strides = array<i32>} : memref<160x256xf32, #tpu.memory_space<vmem>>, vector<16xf32>,
            tpu.vector_store %arg18[%swap3A_219, %swap3A_220], %mul3A_215 {add = true, strides = array<i32>} : memref<160x256xf32, #tpu.memory_space<vmem>>, vector<16xf32>,
            %add3A_222 = arith.addf %add3A_202, %mul3A_211 : vector<16xf32>
            %add3A_223 = arith.addf %add3A_203, %mul3A_215 : vector<16xf32>
            %get3A_224 = arith.index_cast %scan3A_121 : i32 to index
            %get3A_225 = arith.constant 80 : index
            %get3A_226 = tpu.vector_load %arg13[%get3A_224, %get3A_225] {strides = array<i32>} : memref<32x256xf32, #tpu.memory_space<vmem>>, vector<16xf32>,
            %select_n3A_227 = arith.select %lt3A, %get3A_226, %broadcast_in_dim3A_3 : vector<16xf32>
            %get3A_228 = arith.index_cast %scan3A_121 : i32 to index
            %get3A_229 = arith.constant 80 : index
            %get3A_230 = tpu.vector_load %arg14[%get3A_228, %get3A_229] {strides = array<i32>} : memref<32x256xf32, #tpu.memory_space<vmem>>, vector<16xf32>,
            %mul3A_231 = arith.mulf %select_n3A_227, %get3A_230 : vector<16xf32>
            %get3A_232 = arith.index_cast %scan3A_121 : i32 to index
            %get3A_233 = arith.constant 80 : index
            %get3A_234 = tpu.vector_load %arg15[%get3A_232, %get3A_233] {strides = array<i32>} : memref<32x256xf32, #tpu.memory_space<vmem>>, vector<16xf32>,
            %mul3A_235 = arith.mulf %select_n3A_227, %get3A_234 : vector<16xf32>
            %swap3A_236 = arith.index_cast %squeeze3A : i32 to index
            %swap3A_237 = arith.constant 80 : index
            %swap3A_238 = tpu.vector_load %arg17[%swap3A_236, %swap3A_237] {strides = array<i32>} : memref<160x256xf32, #tpu.memory_space<vmem>>, vector<16xf32>,
            tpu.vector_store %arg17[%swap3A_236, %swap3A_237], %mul3A_231 {add = true, strides = array<i32>} : memref<160x256xf32, #tpu.memory_space<vmem>>, vector<16xf32>,
            %swap3A_239 = arith.index_cast %squeeze3A : i32 to index
            %swap3A_240 = arith.constant 80 : index
            %swap3A_241 = tpu.vector_load %arg18[%swap3A_239, %swap3A_240] {strides = array<i32>} : memref<160x256xf32, #tpu.memory_space<vmem>>, vector<16xf32>,
            tpu.vector_store %arg18[%swap3A_239, %swap3A_240], %mul3A_235 {add = true, strides = array<i32>} : memref<160x256xf32, #tpu.memory_space<vmem>>, vector<16xf32>,
            %add3A_242 = arith.addf %add3A_222, %mul3A_231 : vector<16xf32>
            %add3A_243 = arith.addf %add3A_223, %mul3A_235 : vector<16xf32>
            %get3A_244 = arith.index_cast %scan3A_121 : i32 to index
            %get3A_245 = arith.constant 96 : index
            %get3A_246 = tpu.vector_load %arg13[%get3A_244, %get3A_245] {strides = array<i32>} : memref<32x256xf32, #tpu.memory_space<vmem>>, vector<16xf32>,
            %select_n3A_247 = arith.select %lt3A, %get3A_246, %broadcast_in_dim3A_3 : vector<16xf32>
            %get3A_248 = arith.index_cast %scan3A_121 : i32 to index
            %get3A_249 = arith.constant 96 : index
            %get3A_250 = tpu.vector_load %arg14[%get3A_248, %get3A_249] {strides = array<i32>} : memref<32x256xf32, #tpu.memory_space<vmem>>, vector<16xf32>,
            %mul3A_251 = arith.mulf %select_n3A_247, %get3A_250 : vector<16xf32>
            %get3A_252 = arith.index_cast %scan3A_121 : i32 to index
            %get3A_253 = arith.constant 96 : index
            %get3A_254 = tpu.vector_load %arg15[%get3A_252, %get3A_253] {strides = array<i32>} : memref<32x256xf32, #tpu.memory_space<vmem>>, vector<16xf32>,
            %mul3A_255 = arith.mulf %select_n3A_247, %get3A_254 : vector<16xf32>
            %swap3A_256 = arith.index_cast %squeeze3A : i32 to index
            %swap3A_257 = arith.constant 96 : index
            %swap3A_258 = tpu.vector_load %arg17[%swap3A_256, %swap3A_257] {strides = array<i32>} : memref<160x256xf32, #tpu.memory_space<vmem>>, vector<16xf32>,
            tpu.vector_store %arg17[%swap3A_256, %swap3A_257], %mul3A_251 {add = true, strides = array<i32>} : memref<160x256xf32, #tpu.memory_space<vmem>>, vector<16xf32>,
            %swap3A_259 = arith.index_cast %squeeze3A : i32 to index
            %swap3A_260 = arith.constant 96 : index
            %swap3A_261 = tpu.vector_load %arg18[%swap3A_259, %swap3A_260] {strides = array<i32>} : memref<160x256xf32, #tpu.memory_space<vmem>>, vector<16xf32>,
            tpu.vector_store %arg18[%swap3A_259, %swap3A_260], %mul3A_255 {add = true, strides = array<i32>} : memref<160x256xf32, #tpu.memory_space<vmem>>, vector<16xf32>,
            %add3A_262 = arith.addf %add3A_242, %mul3A_251 : vector<16xf32>
            %add3A_263 = arith.addf %add3A_243, %mul3A_255 : vector<16xf32>
            %get3A_264 = arith.index_cast %scan3A_121 : i32 to index
            %get3A_265 = arith.constant 112 : index
            %get3A_266 = tpu.vector_load %arg13[%get3A_264, %get3A_265] {strides = array<i32>} : memref<32x256xf32, #tpu.memory_space<vmem>>, vector<16xf32>,
            %select_n3A_267 = arith.select %lt3A, %get3A_266, %broadcast_in_dim3A_3 : vector<16xf32>
            %get3A_268 = arith.index_cast %scan3A_121 : i32 to index
            %get3A_269 = arith.constant 112 : index
            %get3A_270 = tpu.vector_load %arg14[%get3A_268, %get3A_269] {strides = array<i32>} : memref<32x256xf32, #tpu.memory_space<vmem>>, vector<16xf32>,
            %mul3A_271 = arith.mulf %select_n3A_267, %get3A_270 : vector<16xf32>
            %get3A_272 = arith.index_cast %scan3A_121 : i32 to index
            %get3A_273 = arith.constant 112 : index
            %get3A_274 = tpu.vector_load %arg15[%get3A_272, %get3A_273] {strides = array<i32>} : memref<32x256xf32, #tpu.memory_space<vmem>>, vector<16xf32>,
            %mul3A_275 = arith.mulf %select_n3A_267, %get3A_274 : vector<16xf32>
            %swap3A_276 = arith.index_cast %squeeze3A : i32 to index
            %swap3A_277 = arith.constant 112 : index
            %swap3A_278 = tpu.vector_load %arg17[%swap3A_276, %swap3A_277] {strides = array<i32>} : memref<160x256xf32, #tpu.memory_space<vmem>>, vector<16xf32>,
            tpu.vector_store %arg17[%swap3A_276, %swap3A_277], %mul3A_271 {add = true, strides = array<i32>} : memref<160x256xf32, #tpu.memory_space<vmem>>, vector<16xf32>,
            %swap3A_279 = arith.index_cast %squeeze3A : i32 to index
            %swap3A_280 = arith.constant 112 : index
            %swap3A_281 = tpu.vector_load %arg18[%swap3A_279, %swap3A_280] {strides = array<i32>} : memref<160x256xf32, #tpu.memory_space<vmem>>, vector<16xf32>,
            tpu.vector_store %arg18[%swap3A_279, %swap3A_280], %mul3A_275 {add = true, strides = array<i32>} : memref<160x256xf32, #tpu.memory_space<vmem>>, vector<16xf32>,
            %add3A_282 = arith.addf %add3A_262, %mul3A_271 : vector<16xf32>
            %add3A_283 = arith.addf %add3A_263, %mul3A_275 : vector<16xf32>
            %get3A_284 = arith.index_cast %scan3A_121 : i32 to index
            %get3A_285 = arith.constant 128 : index
            %get3A_286 = tpu.vector_load %arg13[%get3A_284, %get3A_285] {strides = array<i32>} : memref<32x256xf32, #tpu.memory_space<vmem>>, vector<16xf32>,
            %select_n3A_287 = arith.select %lt3A, %get3A_286, %broadcast_in_dim3A_3 : vector<16xf32>
            %get3A_288 = arith.index_cast %scan3A_121 : i32 to index
            %get3A_289 = arith.constant 128 : index
            %get3A_290 = tpu.vector_load %arg14[%get3A_288, %get3A_289] {strides = array<i32>} : memref<32x256xf32, #tpu.memory_space<vmem>>, vector<16xf32>,
            %mul3A_291 = arith.mulf %select_n3A_287, %get3A_290 : vector<16xf32>
            %get3A_292 = arith.index_cast %scan3A_121 : i32 to index
            %get3A_293 = arith.constant 128 : index
            %get3A_294 = tpu.vector_load %arg15[%get3A_292, %get3A_293] {strides = array<i32>} : memref<32x256xf32, #tpu.memory_space<vmem>>, vector<16xf32>,
            %mul3A_295 = arith.mulf %select_n3A_287, %get3A_294 : vector<16xf32>
            %swap3A_296 = arith.index_cast %squeeze3A : i32 to index
            %swap3A_297 = arith.constant 128 : index
            %swap3A_298 = tpu.vector_load %arg17[%swap3A_296, %swap3A_297] {strides = array<i32>} : memref<160x256xf32, #tpu.memory_space<vmem>>, vector<16xf32>,
            tpu.vector_store %arg17[%swap3A_296, %swap3A_297], %mul3A_291 {add = true, strides = array<i32>} : memref<160x256xf32, #tpu.memory_space<vmem>>, vector<16xf32>,
            %swap3A_299 = arith.index_cast %squeeze3A : i32 to index
            %swap3A_300 = arith.constant 128 : index
            %swap3A_301 = tpu.vector_load %arg18[%swap3A_299, %swap3A_300] {strides = array<i32>} : memref<160x256xf32, #tpu.memory_space<vmem>>, vector<16xf32>,
            tpu.vector_store %arg18[%swap3A_299, %swap3A_300], %mul3A_295 {add = true, strides = array<i32>} : memref<160x256xf32, #tpu.memory_space<vmem>>, vector<16xf32>,
            %add3A_302 = arith.addf %add3A_282, %mul3A_291 : vector<16xf32>
            %add3A_303 = arith.addf %add3A_283, %mul3A_295 : vector<16xf32>
            %get3A_304 = arith.index_cast %scan3A_121 : i32 to index
            %get3A_305 = arith.constant 144 : index
            %get3A_306 = tpu.vector_load %arg13[%get3A_304, %get3A_305] {strides = array<i32>} : memref<32x256xf32, #tpu.memory_space<vmem>>, vector<16xf32>,
            %select_n3A_307 = arith.select %lt3A, %get3A_306, %broadcast_in_dim3A_3 : vector<16xf32>
            %get3A_308 = arith.index_cast %scan3A_121 : i32 to index
            %get3A_309 = arith.constant 144 : index
            %get3A_310 = tpu.vector_load %arg14[%get3A_308, %get3A_309] {strides = array<i32>} : memref<32x256xf32, #tpu.memory_space<vmem>>, vector<16xf32>,
            %mul3A_311 = arith.mulf %select_n3A_307, %get3A_310 : vector<16xf32>
            %get3A_312 = arith.index_cast %scan3A_121 : i32 to index
            %get3A_313 = arith.constant 144 : index
            %get3A_314 = tpu.vector_load %arg15[%get3A_312, %get3A_313] {strides = array<i32>} : memref<32x256xf32, #tpu.memory_space<vmem>>, vector<16xf32>,
            %mul3A_315 = arith.mulf %select_n3A_307, %get3A_314 : vector<16xf32>
            %swap3A_316 = arith.index_cast %squeeze3A : i32 to index
            %swap3A_317 = arith.constant 144 : index
            %swap3A_318 = tpu.vector_load %arg17[%swap3A_316, %swap3A_317] {strides = array<i32>} : memref<160x256xf32, #tpu.memory_space<vmem>>, vector<16xf32>,
            tpu.vector_store %arg17[%swap3A_316, %swap3A_317], %mul3A_311 {add = true, strides = array<i32>} : memref<160x256xf32, #tpu.memory_space<vmem>>, vector<16xf32>,
            %swap3A_319 = arith.index_cast %squeeze3A : i32 to index
            %swap3A_320 = arith.constant 144 : index
            %swap3A_321 = tpu.vector_load %arg18[%swap3A_319, %swap3A_320] {strides = array<i32>} : memref<160x256xf32, #tpu.memory_space<vmem>>, vector<16xf32>,
            tpu.vector_store %arg18[%swap3A_319, %swap3A_320], %mul3A_315 {add = true, strides = array<i32>} : memref<160x256xf32, #tpu.memory_space<vmem>>, vector<16xf32>,
            %add3A_322 = arith.addf %add3A_302, %mul3A_311 : vector<16xf32>
            %add3A_323 = arith.addf %add3A_303, %mul3A_315 : vector<16xf32>
            %get3A_324 = arith.index_cast %scan3A_121 : i32 to index
            %get3A_325 = arith.constant 160 : index
            %get3A_326 = tpu.vector_load %arg13[%get3A_324, %get3A_325] {strides = array<i32>} : memref<32x256xf32, #tpu.memory_space<vmem>>, vector<16xf32>,
            %select_n3A_327 = arith.select %lt3A, %get3A_326, %broadcast_in_dim3A_3 : vector<16xf32>
            %get3A_328 = arith.index_cast %scan3A_121 : i32 to index
            %get3A_329 = arith.constant 160 : index
            %get3A_330 = tpu.vector_load %arg14[%get3A_328, %get3A_329] {strides = array<i32>} : memref<32x256xf32, #tpu.memory_space<vmem>>, vector<16xf32>,
            %mul3A_331 = arith.mulf %select_n3A_327, %get3A_330 : vector<16xf32>
            %get3A_332 = arith.index_cast %scan3A_121 : i32 to index
            %get3A_333 = arith.constant 160 : index
            %get3A_334 = tpu.vector_load %arg15[%get3A_332, %get3A_333] {strides = array<i32>} : memref<32x256xf32, #tpu.memory_space<vmem>>, vector<16xf32>,
            %mul3A_335 = arith.mulf %select_n3A_327, %get3A_334 : vector<16xf32>
            %swap3A_336 = arith.index_cast %squeeze3A : i32 to index
            %swap3A_337 = arith.constant 160 : index
            %swap3A_338 = tpu.vector_load %arg17[%swap3A_336, %swap3A_337] {strides = array<i32>} : memref<160x256xf32, #tpu.memory_space<vmem>>, vector<16xf32>,
            tpu.vector_store %arg17[%swap3A_336, %swap3A_337], %mul3A_331 {add = true, strides = array<i32>} : memref<160x256xf32, #tpu.memory_space<vmem>>, vector<16xf32>,
            %swap3A_339 = arith.index_cast %squeeze3A : i32 to index
            %swap3A_340 = arith.constant 160 : index
            %swap3A_341 = tpu.vector_load %arg18[%swap3A_339, %swap3A_340] {strides = array<i32>} : memref<160x256xf32, #tpu.memory_space<vmem>>, vector<16xf32>,
            tpu.vector_store %arg18[%swap3A_339, %swap3A_340], %mul3A_335 {add = true, strides = array<i32>} : memref<160x256xf32, #tpu.memory_space<vmem>>, vector<16xf32>,
            %add3A_342 = arith.addf %add3A_322, %mul3A_331 : vector<16xf32>
            %add3A_343 = arith.addf %add3A_323, %mul3A_335 : vector<16xf32>
            %get3A_344 = arith.index_cast %scan3A_121 : i32 to index
            %get3A_345 = arith.constant 176 : index
            %get3A_346 = tpu.vector_load %arg13[%get3A_344, %get3A_345] {strides = array<i32>} : memref<32x256xf32, #tpu.memory_space<vmem>>, vector<16xf32>,
            %select_n3A_347 = arith.select %lt3A, %get3A_346, %broadcast_in_dim3A_3 : vector<16xf32>
            %get3A_348 = arith.index_cast %scan3A_121 : i32 to index
            %get3A_349 = arith.constant 176 : index
            %get3A_350 = tpu.vector_load %arg14[%get3A_348, %get3A_349] {strides = array<i32>} : memref<32x256xf32, #tpu.memory_space<vmem>>, vector<16xf32>,
            %mul3A_351 = arith.mulf %select_n3A_347, %get3A_350 : vector<16xf32>
            %get3A_352 = arith.index_cast %scan3A_121 : i32 to index
            %get3A_353 = arith.constant 176 : index
            %get3A_354 = tpu.vector_load %arg15[%get3A_352, %get3A_353] {strides = array<i32>} : memref<32x256xf32, #tpu.memory_space<vmem>>, vector<16xf32>,
            %mul3A_355 = arith.mulf %select_n3A_347, %get3A_354 : vector<16xf32>
            %swap3A_356 = arith.index_cast %squeeze3A : i32 to index
            %swap3A_357 = arith.constant 176 : index
            %swap3A_358 = tpu.vector_load %arg17[%swap3A_356, %swap3A_357] {strides = array<i32>} : memref<160x256xf32, #tpu.memory_space<vmem>>, vector<16xf32>,
            tpu.vector_store %arg17[%swap3A_356, %swap3A_357], %mul3A_351 {add = true, strides = array<i32>} : memref<160x256xf32, #tpu.memory_space<vmem>>, vector<16xf32>,
            %swap3A_359 = arith.index_cast %squeeze3A : i32 to index
            %swap3A_360 = arith.constant 176 : index
            %swap3A_361 = tpu.vector_load %arg18[%swap3A_359, %swap3A_360] {strides = array<i32>} : memref<160x256xf32, #tpu.memory_space<vmem>>, vector<16xf32>,
            tpu.vector_store %arg18[%swap3A_359, %swap3A_360], %mul3A_355 {add = true, strides = array<i32>} : memref<160x256xf32, #tpu.memory_space<vmem>>, vector<16xf32>,
            %add3A_362 = arith.addf %add3A_342, %mul3A_351 : vector<16xf32>
            %add3A_363 = arith.addf %add3A_343, %mul3A_355 : vector<16xf32>
            %get3A_364 = arith.index_cast %scan3A_121 : i32 to index
            %get3A_365 = arith.constant 192 : index
            %get3A_366 = tpu.vector_load %arg13[%get3A_364, %get3A_365] {strides = array<i32>} : memref<32x256xf32, #tpu.memory_space<vmem>>, vector<16xf32>,
            %select_n3A_367 = arith.select %lt3A, %get3A_366, %broadcast_in_dim3A_3 : vector<16xf32>
            %get3A_368 = arith.index_cast %scan3A_121 : i32 to index
            %get3A_369 = arith.constant 192 : index
            %get3A_370 = tpu.vector_load %arg14[%get3A_368, %get3A_369] {strides = array<i32>} : memref<32x256xf32, #tpu.memory_space<vmem>>, vector<16xf32>,
            %mul3A_371 = arith.mulf %select_n3A_367, %get3A_370 : vector<16xf32>
            %get3A_372 = arith.index_cast %scan3A_121 : i32 to index
            %get3A_373 = arith.constant 192 : index
            %get3A_374 = tpu.vector_load %arg15[%get3A_372, %get3A_373] {strides = array<i32>} : memref<32x256xf32, #tpu.memory_space<vmem>>, vector<16xf32>,
            %mul3A_375 = arith.mulf %select_n3A_367, %get3A_374 : vector<16xf32>
            %swap3A_376 = arith.index_cast %squeeze3A : i32 to index
            %swap3A_377 = arith.constant 192 : index
            %swap3A_378 = tpu.vector_load %arg17[%swap3A_376, %swap3A_377] {strides = array<i32>} : memref<160x256xf32, #tpu.memory_space<vmem>>, vector<16xf32>,
            tpu.vector_store %arg17[%swap3A_376, %swap3A_377], %mul3A_371 {add = true, strides = array<i32>} : memref<160x256xf32, #tpu.memory_space<vmem>>, vector<16xf32>,
            %swap3A_379 = arith.index_cast %squeeze3A : i32 to index
            %swap3A_380 = arith.constant 192 : index
            %swap3A_381 = tpu.vector_load %arg18[%swap3A_379, %swap3A_380] {strides = array<i32>} : memref<160x256xf32, #tpu.memory_space<vmem>>, vector<16xf32>,
            tpu.vector_store %arg18[%swap3A_379, %swap3A_380], %mul3A_375 {add = true, strides = array<i32>} : memref<160x256xf32, #tpu.memory_space<vmem>>, vector<16xf32>,
            %add3A_382 = arith.addf %add3A_362, %mul3A_371 : vector<16xf32>
            %add3A_383 = arith.addf %add3A_363, %mul3A_375 : vector<16xf32>
            %get3A_384 = arith.index_cast %scan3A_121 : i32 to index
            %get3A_385 = arith.constant 208 : index
            %get3A_386 = tpu.vector_load %arg13[%get3A_384, %get3A_385] {strides = array<i32>} : memref<32x256xf32, #tpu.memory_space<vmem>>, vector<16xf32>,
            %select_n3A_387 = arith.select %lt3A, %get3A_386, %broadcast_in_dim3A_3 : vector<16xf32>
            %get3A_388 = arith.index_cast %scan3A_121 : i32 to index
            %get3A_389 = arith.constant 208 : index
            %get3A_390 = tpu.vector_load %arg14[%get3A_388, %get3A_389] {strides = array<i32>} : memref<32x256xf32, #tpu.memory_space<vmem>>, vector<16xf32>,
            %mul3A_391 = arith.mulf %select_n3A_387, %get3A_390 : vector<16xf32>
            %get3A_392 = arith.index_cast %scan3A_121 : i32 to index
            %get3A_393 = arith.constant 208 : index
            %get3A_394 = tpu.vector_load %arg15[%get3A_392, %get3A_393] {strides = array<i32>} : memref<32x256xf32, #tpu.memory_space<vmem>>, vector<16xf32>,
            %mul3A_395 = arith.mulf %select_n3A_387, %get3A_394 : vector<16xf32>
            %swap3A_396 = arith.index_cast %squeeze3A : i32 to index
            %swap3A_397 = arith.constant 208 : index
            %swap3A_398 = tpu.vector_load %arg17[%swap3A_396, %swap3A_397] {strides = array<i32>} : memref<160x256xf32, #tpu.memory_space<vmem>>, vector<16xf32>,
            tpu.vector_store %arg17[%swap3A_396, %swap3A_397], %mul3A_391 {add = true, strides = array<i32>} : memref<160x256xf32, #tpu.memory_space<vmem>>, vector<16xf32>,
            %swap3A_399 = arith.index_cast %squeeze3A : i32 to index
            %swap3A_400 = arith.constant 208 : index
            %swap3A_401 = tpu.vector_load %arg18[%swap3A_399, %swap3A_400] {strides = array<i32>} : memref<160x256xf32, #tpu.memory_space<vmem>>, vector<16xf32>,
            tpu.vector_store %arg18[%swap3A_399, %swap3A_400], %mul3A_395 {add = true, strides = array<i32>} : memref<160x256xf32, #tpu.memory_space<vmem>>, vector<16xf32>,
            %add3A_402 = arith.addf %add3A_382, %mul3A_391 : vector<16xf32>
            %add3A_403 = arith.addf %add3A_383, %mul3A_395 : vector<16xf32>
            %get3A_404 = arith.index_cast %scan3A_121 : i32 to index
            %get3A_405 = arith.constant 224 : index
            %get3A_406 = tpu.vector_load %arg13[%get3A_404, %get3A_405] {strides = array<i32>} : memref<32x256xf32, #tpu.memory_space<vmem>>, vector<16xf32>,
            %select_n3A_407 = arith.select %lt3A, %get3A_406, %broadcast_in_dim3A_3 : vector<16xf32>
            %get3A_408 = arith.index_cast %scan3A_121 : i32 to index
            %get3A_409 = arith.constant 224 : index
            %get3A_410 = tpu.vector_load %arg14[%get3A_408, %get3A_409] {strides = array<i32>} : memref<32x256xf32, #tpu.memory_space<vmem>>, vector<16xf32>,
            %mul3A_411 = arith.mulf %select_n3A_407, %get3A_410 : vector<16xf32>
            %get3A_412 = arith.index_cast %scan3A_121 : i32 to index
            %get3A_413 = arith.constant 224 : index
            %get3A_414 = tpu.vector_load %arg15[%get3A_412, %get3A_413] {strides = array<i32>} : memref<32x256xf32, #tpu.memory_space<vmem>>, vector<16xf32>,
            %mul3A_415 = arith.mulf %select_n3A_407, %get3A_414 : vector<16xf32>
            %swap3A_416 = arith.index_cast %squeeze3A : i32 to index
            %swap3A_417 = arith.constant 224 : index
            %swap3A_418 = tpu.vector_load %arg17[%swap3A_416, %swap3A_417] {strides = array<i32>} : memref<160x256xf32, #tpu.memory_space<vmem>>, vector<16xf32>,
            tpu.vector_store %arg17[%swap3A_416, %swap3A_417], %mul3A_411 {add = true, strides = array<i32>} : memref<160x256xf32, #tpu.memory_space<vmem>>, vector<16xf32>,
            %swap3A_419 = arith.index_cast %squeeze3A : i32 to index
            %swap3A_420 = arith.constant 224 : index
            %swap3A_421 = tpu.vector_load %arg18[%swap3A_419, %swap3A_420] {strides = array<i32>} : memref<160x256xf32, #tpu.memory_space<vmem>>, vector<16xf32>,
            tpu.vector_store %arg18[%swap3A_419, %swap3A_420], %mul3A_415 {add = true, strides = array<i32>} : memref<160x256xf32, #tpu.memory_space<vmem>>, vector<16xf32>,
            %add3A_422 = arith.addf %add3A_402, %mul3A_411 : vector<16xf32>
            %add3A_423 = arith.addf %add3A_403, %mul3A_415 : vector<16xf32>
            %get3A_424 = arith.index_cast %scan3A_121 : i32 to index
            %get3A_425 = arith.constant 240 : index
            %get3A_426 = tpu.vector_load %arg13[%get3A_424, %get3A_425] {strides = array<i32>} : memref<32x256xf32, #tpu.memory_space<vmem>>, vector<16xf32>,
            %select_n3A_427 = arith.select %lt3A, %get3A_426, %broadcast_in_dim3A_3 : vector<16xf32>
            %get3A_428 = arith.index_cast %scan3A_121 : i32 to index
            %get3A_429 = arith.constant 240 : index
            %get3A_430 = tpu.vector_load %arg14[%get3A_428, %get3A_429] {strides = array<i32>} : memref<32x256xf32, #tpu.memory_space<vmem>>, vector<16xf32>,
            %mul3A_431 = arith.mulf %select_n3A_427, %get3A_430 : vector<16xf32>
            %get3A_432 = arith.index_cast %scan3A_121 : i32 to index
            %get3A_433 = arith.constant 240 : index
            %get3A_434 = tpu.vector_load %arg15[%get3A_432, %get3A_433] {strides = array<i32>} : memref<32x256xf32, #tpu.memory_space<vmem>>, vector<16xf32>,
            %mul3A_435 = arith.mulf %select_n3A_427, %get3A_434 : vector<16xf32>
            %swap3A_436 = arith.index_cast %squeeze3A : i32 to index
            %swap3A_437 = arith.constant 240 : index
            %swap3A_438 = tpu.vector_load %arg17[%swap3A_436, %swap3A_437] {strides = array<i32>} : memref<160x256xf32, #tpu.memory_space<vmem>>, vector<16xf32>,
            tpu.vector_store %arg17[%swap3A_436, %swap3A_437], %mul3A_431 {add = true, strides = array<i32>} : memref<160x256xf32, #tpu.memory_space<vmem>>, vector<16xf32>,
            %swap3A_439 = arith.index_cast %squeeze3A : i32 to index
            %swap3A_440 = arith.constant 240 : index
            %swap3A_441 = tpu.vector_load %arg18[%swap3A_439, %swap3A_440] {strides = array<i32>} : memref<160x256xf32, #tpu.memory_space<vmem>>, vector<16xf32>,
            tpu.vector_store %arg18[%swap3A_439, %swap3A_440], %mul3A_435 {add = true, strides = array<i32>} : memref<160x256xf32, #tpu.memory_space<vmem>>, vector<16xf32>,
            %add3A_442 = arith.addf %add3A_422, %mul3A_431 : vector<16xf32>
            %add3A_443 = arith.addf %add3A_423, %mul3A_435 : vector<16xf32>
            %get3A_444 = arith.index_cast %scan3A_121 : i32 to index
            %get3A_445 = arith.constant 0 : index
            %get3A_446 = tpu.vector_load %arg16[%get3A_444, %get3A_445] {strides = array<i32>} : memref<32x128xf32, #tpu.memory_space<vmem>>, vector<16xf32>,
            %mul3A_447 = arith.constant 32 : i32
            %mul3A_448 = arith.muli %squeeze3A, %mul3A_447 : i32
            %reduce_sum3A = arith.constant true
            %reduce_sum3A_449 = vector.broadcast %reduce_sum3A : i1 to vector<16xi1>
            %reduce_sum3A_450 = tpu.scan <sum>, %add3A_442 masked %reduce_sum3A_449 : vector<16xf32>, vector<16xi1> -> vector<16xf32>
            %reduce_sum3A_451 = vector.extract %reduce_sum3A_450[15] : f32 from vector<16xf32>
            %mul3A_452 = vector.broadcast %reduce_sum3A_451 : f32 to vector<16xf32>
            %mul3A_453 = arith.mulf %get3A_446, %mul3A_452 : vector<16xf32>
            %swap3A_454 = arith.index_cast %mul3A_448 : i32 to index
            %swap3A_455 = tpu.vector_load %arg19[%swap3A_454] {strides = array<i32>} : memref<5120xf32, #tpu.memory_space<vmem>>, vector<16xf32>,
            tpu.vector_store %arg19[%swap3A_454], %mul3A_453 {add = true, strides = array<i32>} : memref<5120xf32, #tpu.memory_space<vmem>>, vector<16xf32>,
            %mul3A_456 = arith.constant 32 : i32
            %mul3A_457 = arith.muli %squeeze3A, %mul3A_456 : i32
            %add3A_458 = arith.constant 16 : i32
            %add3A_459 = arith.addi %mul3A_457, %add3A_458 : i32
            %reduce_sum3A_460 = arith.constant true
            %reduce_sum3A_461 = vector.broadcast %reduce_sum3A_460 : i1 to vector<16xi1>
            %reduce_sum3A_462 = tpu.scan <sum>, %add3A_443 masked %reduce_sum3A_461 : vector<16xf32>, vector<16xi1> -> vector<16xf32>
            %reduce_sum3A_463 = vector.extract %reduce_sum3A_462[15] : f32 from vector<16xf32>
            %mul3A_464 = vector.broadcast %reduce_sum3A_463 : f32 to vector<16xf32>
            %mul3A_465 = arith.mulf %get3A_446, %mul3A_464 : vector<16xf32>
            %swap3A_466 = arith.index_cast %add3A_459 : i32 to index
            %swap3A_467 = tpu.vector_load %arg19[%swap3A_466] {strides = array<i32>} : memref<5120xf32, #tpu.memory_space<vmem>>, vector<16xf32>,
            tpu.vector_store %arg19[%swap3A_466], %mul3A_465 {add = true, strides = array<i32>} : memref<5120xf32, #tpu.memory_space<vmem>>, vector<16xf32>,
          }
          %scan3A_120 = arith.constant 32 : i32
        }
      }
      %scan3A_24 = arith.constant 40 : i32
      "tpu.region"() ({
        %run_scoped3A = tpu.sem_alloc : memref<!tpu.dma_semaphore, #tpu.memory_space<semaphore_mem>>
        %dma_start3A = arith.constant 0 : i32
        %dma_start3A_27 = tpu.memref_slice %arg7[%arg0, %add3A_14, %dma_start3A] : memref<2x10240x256xf32, #tpu.memory_space<hbm>> -> memref<1x160x256xf32, #tpu.memory_space<hbm>>
        %dma_start3A_28 = tpu.memref_squeeze %dma_start3A_27 : memref<1x160x256xf32, #tpu.memory_space<hbm>> -> memref<160x256xf32, #tpu.memory_space<hbm>>
        %dma_start3A_29 = arith.constant 0 : i32
        %dma_start3A_30 = tpu.memref_slice %arg7[%arg0, %add3A_14, %dma_start3A_29] : memref<2x10240x256xf32, #tpu.memory_space<hbm>> -> memref<1x160x256xf32, #tpu.memory_space<hbm>>
        %dma_start3A_31 = tpu.memref_squeeze %dma_start3A_30 : memref<1x160x256xf32, #tpu.memory_space<hbm>> -> memref<160x256xf32, #tpu.memory_space<hbm>>
        tpu.enqueue_dma source(%arg17 : memref<160x256xf32, #tpu.memory_space<vmem>>) target(%dma_start3A_31 : memref<160x256xf32, #tpu.memory_space<hbm>>) target_semaphore(%run_scoped3A : memref<!tpu.dma_semaphore, #tpu.memory_space<semaphore_mem>>)
        %dma_wait3A = arith.constant 0 : i32
        %dma_wait3A_32 = tpu.memref_slice %arg7[%arg0, %add3A_14, %dma_wait3A] : memref<2x10240x256xf32, #tpu.memory_space<hbm>> -> memref<1x160x256xf32, #tpu.memory_space<hbm>>
        %dma_wait3A_33 = tpu.memref_squeeze %dma_wait3A_32 : memref<1x160x256xf32, #tpu.memory_space<hbm>> -> memref<160x256xf32, #tpu.memory_space<hbm>>
        %dma_wait3A_34 = arith.constant 0 : i32
        %dma_wait3A_35 = tpu.memref_slice %arg7[%arg0, %add3A_14, %dma_wait3A_34] : memref<2x10240x256xf32, #tpu.memory_space<hbm>> -> memref<1x160x256xf32, #tpu.memory_space<hbm>>
        %dma_wait3A_36 = tpu.memref_squeeze %dma_wait3A_35 : memref<1x160x256xf32, #tpu.memory_space<hbm>> -> memref<160x256xf32, #tpu.memory_space<hbm>>
        tpu.wait_dma2 semaphore(%run_scoped3A : memref<!tpu.dma_semaphore, #tpu.memory_space<semaphore_mem>>) src(%arg17 : memref<160x256xf32, #tpu.memory_space<vmem>>) dst(%dma_wait3A_36 : memref<160x256xf32, #tpu.memory_space<hbm>>)
        tpu.yield
      }) : () -> ()
      "tpu.region"() ({
        %run_scoped3A = tpu.sem_alloc : memref<!tpu.dma_semaphore, #tpu.memory_space<semaphore_mem>>
        %dma_start3A = arith.constant 0 : i32
        %dma_start3A_27 = tpu.memref_slice %arg8[%arg0, %add3A_14, %dma_start3A] : memref<2x10240x256xf32, #tpu.memory_space<hbm>> -> memref<1x160x256xf32, #tpu.memory_space<hbm>>
        %dma_start3A_28 = tpu.memref_squeeze %dma_start3A_27 : memref<1x160x256xf32, #tpu.memory_space<hbm>> -> memref<160x256xf32, #tpu.memory_space<hbm>>
        %dma_start3A_29 = arith.constant 0 : i32
        %dma_start3A_30 = tpu.memref_slice %arg8[%arg0, %add3A_14, %dma_start3A_29] : memref<2x10240x256xf32, #tpu.memory_space<hbm>> -> memref<1x160x256xf32, #tpu.memory_space<hbm>>
        %dma_start3A_31 = tpu.memref_squeeze %dma_start3A_30 : memref<1x160x256xf32, #tpu.memory_space<hbm>> -> memref<160x256xf32, #tpu.memory_space<hbm>>
        tpu.enqueue_dma source(%arg18 : memref<160x256xf32, #tpu.memory_space<vmem>>) target(%dma_start3A_31 : memref<160x256xf32, #tpu.memory_space<hbm>>) target_semaphore(%run_scoped3A : memref<!tpu.dma_semaphore, #tpu.memory_space<semaphore_mem>>)
        %dma_wait3A = arith.constant 0 : i32
        %dma_wait3A_32 = tpu.memref_slice %arg8[%arg0, %add3A_14, %dma_wait3A] : memref<2x10240x256xf32, #tpu.memory_space<hbm>> -> memref<1x160x256xf32, #tpu.memory_space<hbm>>
        %dma_wait3A_33 = tpu.memref_squeeze %dma_wait3A_32 : memref<1x160x256xf32, #tpu.memory_space<hbm>> -> memref<160x256xf32, #tpu.memory_space<hbm>>
        %dma_wait3A_34 = arith.constant 0 : i32
        %dma_wait3A_35 = tpu.memref_slice %arg8[%arg0, %add3A_14, %dma_wait3A_34] : memref<2x10240x256xf32, #tpu.memory_space<hbm>> -> memref<1x160x256xf32, #tpu.memory_space<hbm>>
        %dma_wait3A_36 = tpu.memref_squeeze %dma_wait3A_35 : memref<1x160x256xf32, #tpu.memory_space<hbm>> -> memref<160x256xf32, #tpu.memory_space<hbm>>
        tpu.wait_dma2 semaphore(%run_scoped3A : memref<!tpu.dma_semaphore, #tpu.memory_space<semaphore_mem>>) src(%arg18 : memref<160x256xf32, #tpu.memory_space<vmem>>) dst(%dma_wait3A_36 : memref<160x256xf32, #tpu.memory_space<hbm>>)
        tpu.yield
      }) : () -> ()
      %mul3A_25 = arith.constant 32 : i32
      %mul3A_26 = arith.muli %add3A_14, %mul3A_25 : i32
      "tpu.region"() ({
        %run_scoped3A = tpu.sem_alloc : memref<!tpu.dma_semaphore, #tpu.memory_space<semaphore_mem>>
        %dma_start3A = tpu.memref_slice %arg9[%arg0, %mul3A_26] : memref<2x327680xf32, #tpu.memory_space<hbm>> -> memref<1x5120xf32, #tpu.memory_space<hbm>>
        %dma_start3A_27 = tpu.memref_squeeze %dma_start3A : memref<1x5120xf32, #tpu.memory_space<hbm>> -> memref<5120xf32, #tpu.memory_space<hbm>>
        %dma_start3A_28 = tpu.memref_slice %arg9[%arg0, %mul3A_26] : memref<2x327680xf32, #tpu.memory_space<hbm>> -> memref<1x5120xf32, #tpu.memory_space<hbm>>
        %dma_start3A_29 = tpu.memref_squeeze %dma_start3A_28 : memref<1x5120xf32, #tpu.memory_space<hbm>> -> memref<5120xf32, #tpu.memory_space<hbm>>
        tpu.enqueue_dma source(%arg19 : memref<5120xf32, #tpu.memory_space<vmem>>) target(%dma_start3A_29 : memref<5120xf32, #tpu.memory_space<hbm>>) target_semaphore(%run_scoped3A : memref<!tpu.dma_semaphore, #tpu.memory_space<semaphore_mem>>)
        %dma_wait3A = tpu.memref_slice %arg9[%arg0, %mul3A_26] : memref<2x327680xf32, #tpu.memory_space<hbm>> -> memref<1x5120xf32, #tpu.memory_space<hbm>>
        %dma_wait3A_30 = tpu.memref_squeeze %dma_wait3A : memref<1x5120xf32, #tpu.memory_space<hbm>> -> memref<5120xf32, #tpu.memory_space<hbm>>
        %dma_wait3A_31 = tpu.memref_slice %arg9[%arg0, %mul3A_26] : memref<2x327680xf32, #tpu.memory_space<hbm>> -> memref<1x5120xf32, #tpu.memory_space<hbm>>
        %dma_wait3A_32 = tpu.memref_squeeze %dma_wait3A_31 : memref<1x5120xf32, #tpu.memory_space<hbm>> -> memref<5120xf32, #tpu.memory_space<hbm>>
        tpu.wait_dma2 semaphore(%run_scoped3A : memref<!tpu.dma_semaphore, #tpu.memory_space<semaphore_mem>>) src(%arg19 : memref<5120xf32, #tpu.memory_space<vmem>>) dst(%dma_wait3A_32 : memref<5120xf32, #tpu.memory_space<hbm>>)
        tpu.yield
      }) : () -> ()
    }
    %scan3A_7 = arith.constant 4 : i32
    return
  }
}

module attributes {stable_mosaic.version = 14 : i64} {
  func.func @_unit_body(%arg0: i32, %arg1: memref<8000x3xf32, #tpu.memory_space<vmem>>, %arg2: memref<8000x128xf32, #tpu.memory_space<vmem>>) attributes {dimension_semantics = [#tpu.dimension_semantics<arbitrary>], iteration_bounds = array<i64: 20>, scalar_prefetch = 0 : i64, scratch_operands = 0 : i64, tpu.core_type = #tpu.core_type<tc>, window_params = [{transform_indices = @transform_0, window_bounds = array<i64: 8000, 3>}, {transform_indices = @transform_1, window_bounds = array<i64: 8000, 128>}]} {
    %get3A = arith.constant 0 : index
    %get3A_0 = arith.constant 0 : index
    %get3A_1 = vector.load %arg1[%get3A, %get3A_0] : memref<8000x3xf32, #tpu.memory_space<vmem>>, vector<8000x3xf32>
    %mul3A = arith.mulf %get3A_1, %get3A_1 : vector<8000x3xf32>
    %reduce_sum3A = arith.constant dense<0.000000e+00> : vector<8000xf32>
    %reduce_sum3A_2 = vector.multi_reduction <add>, %mul3A, %reduce_sum3A [1] : vector<8000x3xf32> to vector<8000xf32>
    %broadcast_in_dim3A = vector.shape_cast %reduce_sum3A_2 : vector<8000xf32> to vector<8000x1xf32>
    %sqrt3A = math.sqrt %broadcast_in_dim3A : vector<8000x1xf32>
    %div3A = vector.broadcast %sqrt3A : vector<8000x1xf32> to vector<8000x3xf32>
    %div3A_3 = arith.divf %get3A_1, %div3A : vector<8000x3xf32>
    %broadcast_in_dim3A_4 = arith.constant 0.000000e+00 : f32
    %broadcast_in_dim3A_5 = vector.broadcast %broadcast_in_dim3A_4 : f32 to vector<8000x125xf32>
    %concatenate3A = tpu.concatenate %div3A_3, %broadcast_in_dim3A_5 in 1 : vector<8000x3xf32>, vector<8000x125xf32> -> vector<8000x128xf32>
    %swap3A = arith.constant 0 : index
    %swap3A_6 = arith.constant 0 : index
    %swap3A_7 = vector.load %arg2[%swap3A, %swap3A_6] : memref<8000x128xf32, #tpu.memory_space<vmem>>, vector<8000x128xf32>
    tpu.vector_store %arg2[%swap3A, %swap3A_6], %concatenate3A {strides = array<i32>} : memref<8000x128xf32, #tpu.memory_space<vmem>>, vector<8000x128xf32>,
    return
  }
  func.func @transform_0(%arg0: i32) -> (i32, i32) {
    %c0_i32 = arith.constant 0 : i32
    %c0_i32_0 = arith.constant 0 : i32
    return %arg0, %c0_i32 : i32, i32
  }
  func.func @transform_1(%arg0: i32) -> (i32, i32) {
    %c0_i32 = arith.constant 0 : i32
    %c0_i32_0 = arith.constant 0 : i32
    return %arg0, %c0_i32 : i32, i32
  }
}

module attributes {stable_mosaic.version = 14 : i64} {
  func.func @_post_body(%arg0: i32, %arg1: memref<2x2000x256xf32, #tpu.memory_space<vmem>>, %arg2: memref<2x2000x256xf32, #tpu.memory_space<vmem>>, %arg3: memref<2x2000x32xf32, #tpu.memory_space<vmem>>, %arg4: memref<2000x256xf32, #tpu.memory_space<vmem>>, %arg5: memref<2000x1xf32, #tpu.memory_space<vmem>>, %arg6: memref<2000x256xf32, #tpu.memory_space<vmem>>, %arg7: memref<2000x1xf32, #tpu.memory_space<vmem>>) attributes {dimension_semantics = [#tpu.dimension_semantics<arbitrary>], iteration_bounds = array<i64: 5>, scalar_prefetch = 0 : i64, scratch_operands = 0 : i64, tpu.core_type = #tpu.core_type<tc>, window_params = [{transform_indices = @transform_0, window_bounds = array<i64: 2, 2000, 256>}, {transform_indices = @transform_1, window_bounds = array<i64: 2, 2000, 256>}, {transform_indices = @transform_2, window_bounds = array<i64: 2, 2000, 32>}, {transform_indices = @transform_3, window_bounds = array<i64: 2000, 256>}, {transform_indices = @transform_4, window_bounds = array<i64: 2000, 1>}, {transform_indices = @transform_5, window_bounds = array<i64: 2000, 256>}, {transform_indices = @transform_6, window_bounds = array<i64: 2000, 1>}]} {
    %get3A = arith.constant 0 : index
    %get3A_0 = arith.constant 0 : index
    %get3A_1 = arith.constant 0 : index
    %get3A_2 = vector.load %arg1[%get3A, %get3A_0, %get3A_1] : memref<2x2000x256xf32, #tpu.memory_space<vmem>>, vector<1x2000x256xf32>
    %get3A_3 = vector.shape_cast %get3A_2 : vector<1x2000x256xf32> to vector<2000x256xf32>
    %get3A_4 = arith.constant 1 : index
    %get3A_5 = arith.constant 0 : index
    %get3A_6 = arith.constant 0 : index
    %get3A_7 = vector.load %arg1[%get3A_4, %get3A_5, %get3A_6] : memref<2x2000x256xf32, #tpu.memory_space<vmem>>, vector<1x2000x256xf32>
    %get3A_8 = vector.shape_cast %get3A_7 : vector<1x2000x256xf32> to vector<2000x256xf32>
    %add3A = arith.addf %get3A_3, %get3A_8 : vector<2000x256xf32>
    %swap3A = arith.constant 0 : index
    %swap3A_9 = arith.constant 0 : index
    %swap3A_10 = vector.load %arg4[%swap3A, %swap3A_9] : memref<2000x256xf32, #tpu.memory_space<vmem>>, vector<2000x256xf32>
    tpu.vector_store %arg4[%swap3A, %swap3A_9], %add3A {strides = array<i32>} : memref<2000x256xf32, #tpu.memory_space<vmem>>, vector<2000x256xf32>,
    %get3A_11 = arith.constant 0 : index
    %get3A_12 = arith.constant 0 : index
    %get3A_13 = arith.constant 0 : index
    %get3A_14 = vector.load %arg2[%get3A_11, %get3A_12, %get3A_13] : memref<2x2000x256xf32, #tpu.memory_space<vmem>>, vector<1x2000x256xf32>
    %get3A_15 = vector.shape_cast %get3A_14 : vector<1x2000x256xf32> to vector<2000x256xf32>
    %get3A_16 = arith.constant 1 : index
    %get3A_17 = arith.constant 0 : index
    %get3A_18 = arith.constant 0 : index
    %get3A_19 = vector.load %arg2[%get3A_16, %get3A_17, %get3A_18] : memref<2x2000x256xf32, #tpu.memory_space<vmem>>, vector<1x2000x256xf32>
    %get3A_20 = vector.shape_cast %get3A_19 : vector<1x2000x256xf32> to vector<2000x256xf32>
    %add3A_21 = arith.addf %get3A_15, %get3A_20 : vector<2000x256xf32>
    %swap3A_22 = arith.constant 0 : index
    %swap3A_23 = arith.constant 0 : index
    %swap3A_24 = vector.load %arg6[%swap3A_22, %swap3A_23] : memref<2000x256xf32, #tpu.memory_space<vmem>>, vector<2000x256xf32>
    tpu.vector_store %arg6[%swap3A_22, %swap3A_23], %add3A_21 {strides = array<i32>} : memref<2000x256xf32, #tpu.memory_space<vmem>>, vector<2000x256xf32>,
    %get3A_25 = arith.constant 0 : index
    %get3A_26 = arith.constant 0 : index
    %get3A_27 = arith.constant 0 : index
    %get3A_28 = vector.load %arg3[%get3A_25, %get3A_26, %get3A_27] : memref<2x2000x32xf32, #tpu.memory_space<vmem>>, vector<1x2000x32xf32>
    %get3A_29 = vector.shape_cast %get3A_28 : vector<1x2000x32xf32> to vector<2000x32xf32>
    %get3A_30 = arith.constant 1 : index
    %get3A_31 = arith.constant 0 : index
    %get3A_32 = arith.constant 0 : index
    %get3A_33 = vector.load %arg3[%get3A_30, %get3A_31, %get3A_32] : memref<2x2000x32xf32, #tpu.memory_space<vmem>>, vector<1x2000x32xf32>
    %get3A_34 = vector.shape_cast %get3A_33 : vector<1x2000x32xf32> to vector<2000x32xf32>
    %add3A_35 = arith.addf %get3A_29, %get3A_34 : vector<2000x32xf32>
    %slice3A = vector.extract_strided_slice %add3A_35 {offsets = [0, 0], sizes = [2000, 16], strides = [1, 1]} : vector<2000x32xf32> to vector<2000x16xf32>
    %slice3A_36 = vector.extract_strided_slice %add3A_35 {offsets = [0, 16], sizes = [2000, 16], strides = [1, 1]} : vector<2000x32xf32> to vector<2000x16xf32>
    %mul3A = arith.mulf %slice3A, %slice3A : vector<2000x16xf32>
    %reduce_sum3A = arith.constant dense<0.000000e+00> : vector<2000xf32>
    %reduce_sum3A_37 = vector.multi_reduction <add>, %mul3A, %reduce_sum3A [1] : vector<2000x16xf32> to vector<2000xf32>
    %broadcast_in_dim3A = vector.shape_cast %reduce_sum3A_37 : vector<2000xf32> to vector<2000x1xf32>
    %sqrt3A = math.sqrt %broadcast_in_dim3A : vector<2000x1xf32>
    %swap3A_38 = arith.constant 0 : index
    %swap3A_39 = arith.constant 0 : index
    %swap3A_40 = vector.load %arg5[%swap3A_38, %swap3A_39] : memref<2000x1xf32, #tpu.memory_space<vmem>>, vector<2000x1xf32>
    tpu.vector_store %arg5[%swap3A_38, %swap3A_39], %sqrt3A {strides = array<i32>} : memref<2000x1xf32, #tpu.memory_space<vmem>>, vector<2000x1xf32>,
    %mul3A_41 = arith.mulf %slice3A_36, %slice3A_36 : vector<2000x16xf32>
    %reduce_sum3A_42 = arith.constant dense<0.000000e+00> : vector<2000xf32>
    %reduce_sum3A_43 = vector.multi_reduction <add>, %mul3A_41, %reduce_sum3A_42 [1] : vector<2000x16xf32> to vector<2000xf32>
    %broadcast_in_dim3A_44 = vector.shape_cast %reduce_sum3A_43 : vector<2000xf32> to vector<2000x1xf32>
    %sqrt3A_45 = math.sqrt %broadcast_in_dim3A_44 : vector<2000x1xf32>
    %swap3A_46 = arith.constant 0 : index
    %swap3A_47 = arith.constant 0 : index
    %swap3A_48 = vector.load %arg7[%swap3A_46, %swap3A_47] : memref<2000x1xf32, #tpu.memory_space<vmem>>, vector<2000x1xf32>
    tpu.vector_store %arg7[%swap3A_46, %swap3A_47], %sqrt3A_45 {strides = array<i32>} : memref<2000x1xf32, #tpu.memory_space<vmem>>, vector<2000x1xf32>,
    return
  }
  func.func @transform_0(%arg0: i32) -> (i32, i32, i32) {
    %c0_i32 = arith.constant 0 : i32
    %c0_i32_0 = arith.constant 0 : i32
    %c0_i32_1 = arith.constant 0 : i32
    return %c0_i32, %arg0, %c0_i32_0 : i32, i32, i32
  }
  func.func @transform_1(%arg0: i32) -> (i32, i32, i32) {
    %c0_i32 = arith.constant 0 : i32
    %c0_i32_0 = arith.constant 0 : i32
    %c0_i32_1 = arith.constant 0 : i32
    return %c0_i32, %arg0, %c0_i32_0 : i32, i32, i32
  }
  func.func @transform_2(%arg0: i32) -> (i32, i32, i32) {
    %c0_i32 = arith.constant 0 : i32
    %c0_i32_0 = arith.constant 0 : i32
    %c0_i32_1 = arith.constant 0 : i32
    return %c0_i32, %arg0, %c0_i32_0 : i32, i32, i32
  }
  func.func @transform_3(%arg0: i32) -> (i32, i32) {
    %c0_i32 = arith.constant 0 : i32
    %c0_i32_0 = arith.constant 0 : i32
    return %arg0, %c0_i32 : i32, i32
  }
  func.func @transform_4(%arg0: i32) -> (i32, i32) {
    %c0_i32 = arith.constant 0 : i32
    %c0_i32_0 = arith.constant 0 : i32
    return %arg0, %c0_i32 : i32, i32
  }
  func.func @transform_5(%arg0: i32) -> (i32, i32) {
    %c0_i32 = arith.constant 0 : i32
    %c0_i32_0 = arith.constant 0 : i32
    return %arg0, %c0_i32 : i32, i32
  }
  func.func @transform_6(%arg0: i32) -> (i32, i32) {
    %c0_i32 = arith.constant 0 : i32
    %c0_i32_0 = arith.constant 0 : i32
    return %arg0, %c0_i32 : i32, i32
  }
}

</mosaic_0001>

<sc_bundles>
// kernel: kernel.5.cloned.1.call-start
scs
__scs_entry_jumppad:
0x0: {  	(pc) =	sbr.rel $0x88, $3  }
0x1: {  	(tag) =	ssettag $0x0;
	lr =	simm.s32 $0x1  }
0x2: {  	[smem:$0x3F9C] =	sst lr;
	_ =	strace $0xD0000000  }
0x3: {  	_ = 	snop  }
0x4: {  	_ = 	snop  }
0x5: {  	_ = 	snop  }
0x6: {  	_ = 	snop  }
0x7: {  	_ = 	snop  }
__scs_overlays_trampoline_lowered:
0x8: {  	[smem:$0x3FAB] =	sst s0  }
0x9: {  	[smem:$0x3FAC] =	sst s1  }
0xa: {  	[smem:$0x3FAD] =	sst s2  }
0xb: {  	[smem:$0x3FAE] =	sst s3  }
0xc: {  	[smem:$0x3FAF] =	sst s4  }
0xd: {  	[smem:$0x3FB0] =	sst s5  }
0xe: {  	[smem:$0x3FB1] =	sst s6  }
0xf: {  	[smem:$0x3FB2] =	sst s7  }
0x10: {  	[smem:$0x3FB3] =	sst s8  }
0x11: {  	[smem:$0x3FB4] =	sst s9;
	s0 =	simm.s32 @!p0 $0x0  }
0x12: {  	s1 =	sld [smem:$0x3F9A];
	s0 =	simm.s32 @p0 $0x1  }
0x13: {  	[smem:$0x3FB5] =	sst s0;
	s0 =	simm.s32 @!p1 $0x0  }
0x14: {  	s2 =	sld [smem:$0x3F99];
	s0 =	simm.s32 @p1 $0x1  }
0x15: {  	[smem:$0x3FB6] =	sst s0;
	s0 =	simm.s32 @!p2 $0x0  }
0x16: {  	s3 =	sld [smem:$0x3FDB];
	s0 =	simm.s32 @p2 $0x1  }
0x17: {  	s4 =	simm.s32 $0x1BF5;
	[smem:$0x3FB8] =	sst s0  }
0x18: {  	s0 =	sld [smem:$0x3F9B];
	_ =	swait.ge [sflag:s4], $0x0  }
0x19: {  	s7 =	sld [smem:$0x3F9C]  }
0x1a: {  	s8 =	sadd.s32 $0xFFFFE003, lr  }
0x1b: {  	s9 =	sadd.s32 $0xFFFFFEF7, lr;
	s5 =	simm.s32 $0xFFFFFFFF;
	p2 =	slt.u32 s8, $0xFFFFF086  }
0x1c: {  	p1 =	slt.u32 s9, $0xF7A;
	s5 =	simm.s32 @!p2 $0x0  }
0x1d: {  	s5 =	simm.s32 @p1 $0x1;
	p0 =	seq.s32 s7, s2  }
0x1e: {  	s7 =	smul.u32 @!p0 $0xF7A, s2;
	p2 =	seq.s32 @!p0 s5, $0x0  }
0x1f: {  	s9 =	smul.u32 $0xF7A, s1;
	s8 =	simm.s32 @!p0 $0x1BF5;
	p2 =	por !p2, p0  }
0x20: {  	[sflag:s8] =	ssyncset.s32 @!p0 $0xFFFFF086;
	s6 =	sadd.s32 @!p0 s3, s7;
	s7 =	simm.s32 @!p0 $0x108  }
0x21: {  	s3 =	sadd.s32 s3, s9;
	s6 =	sadd.s32 @!p0 $0x88, s6;
	s7 =	simm.s32 @p2 $0x1082  }
0x22: {  	[simem:s7], [sflag:s8] =	dma.local @!p0 [hbm:s6], $0xF7A  }
0x23: {  	s9 =	sor.u32 $0xD0000000, s2;
	s6 =	simm.s32 $0x108;
	_ =	swait.ge @!p0 [sflag:s8], $0x0  }
0x24: {  	s3 =	sadd.s32 $0x88, s3;
	s6 =	simm.s32 @!p1 $0x1082;
	[sflag:s4] =	ssyncset.s32 $0xFFFFF086  }
0x25: {  	[simem:s6], [sflag:s4] =	dma.local [hbm:s3], $0xF7A  }
0x26: {  	[smem:$0x3F9C] =	sst s1;
	(tag) =	ssettag s2;
	_ =	strace s9  }
0x27: {  	s1 =	sld [smem:$0x3FAC]  }
0x28: {  	s2 =	sld [smem:$0x3FAD]  }
0x29: {  	s4 =	sld [smem:$0x3FAF]  }
0x2a: {  	p0 =	seq.s32 s5, $0x0;
	s5 =	sld [smem:$0x3FB0]  }
0x2b: {  	s6 =	sld [smem:$0x3FB1]  }
0x2c: {  	s7 =	sld [smem:$0x3FB2]  }
0x2d: {  	s3 =	simm.s32 $0x108;
	s8 =	sld [smem:$0x3FB3]  }
0x2e: {  	s3 =	simm.s32 @!p0 $0x1082;
	s9 =	sld [smem:$0x3FB4]  }
0x2f: {  	lr =	sadd.s32 s0, s3;
	s0 =	sld [smem:$0x3FAB]  }
0x30: {  	s3 =	sld [smem:$0x3FAE]  }
0x31: {  	[smem:$0x3FB7] =	sst s10  }
0x32: {  	s10 =	sld [smem:$0x3FB5];
	_ =	sdelay $0x3  }
0x33: {  	p0 =	seq.s32 s10, $0x1;
	s10 =	sld [smem:$0x3FB7];
	_ =	sdelay $0x3  }
0x34: {  	[smem:$0x3FB7] =	sst s10  }
0x35: {  	s10 =	sld [smem:$0x3FB6];
	_ =	sdelay $0x3  }
0x36: {  	p1 =	seq.s32 s10, $0x1;
	s10 =	sld [smem:$0x3FB7];
	_ =	sdelay $0x3  }
0x37: {  	[smem:$0x3FB7] =	sst s10  }
0x38: {  	s10 =	sld [smem:$0x3FB8]  }
0x39: {  	_ = 	snop;
	(pc) =	sbr.ind lr, $3  }
0x3a: {  	_ = 	snop  }
0x3b: {  	_ = 	snop  }
0x3c: {  	p2 =	seq.s32 s10, $0x1;
	s10 =	sld [smem:$0x3FB7]  }
0x3d: {  	_ =	shalt  }
0x3e: {  	_ =	shalt  }
0x3f: {  	_ =	shalt  }
0x40: {  	_ =	shalt  }
0x41: {  	_ =	shalt  }
0x42: {  	_ =	shalt  }
0x43: {  	_ =	shalt  }
0x44: {  	_ =	shalt  }
0x45: {  	_ =	shalt  }
0x46: {  	_ =	shalt  }
0x47: {  	_ =	shalt  }
0x48: {  	_ =	shalt  }
0x49: {  	_ =	shalt  }
0x4a: {  	_ =	shalt  }
0x4b: {  	_ =	shalt  }
0x4c: {  	_ =	shalt  }
0x4d: {  	_ =	shalt  }
0x4e: {  	_ =	shalt  }
0x4f: {  	_ =	shalt  }
0x50: {  	_ =	shalt  }
0x51: {  	_ =	shalt  }
0x52: {  	_ =	shalt  }
0x53: {  	_ =	shalt  }
0x54: {  	_ =	shalt  }
0x55: {  	_ =	shalt  }
0x56: {  	_ =	shalt  }
0x57: {  	_ =	shalt  }
0x58: {  	_ =	shalt  }
0x59: {  	_ =	shalt  }
0x5a: {  	_ =	shalt  }
0x5b: {  	_ =	shalt  }
0x5c: {  	_ =	shalt  }
0x5d: {  	_ =	shalt  }
0x5e: {  	_ =	shalt  }
0x5f: {  	_ =	shalt  }
0x60: {  	_ =	shalt  }
0x61: {  	_ =	shalt  }
0x62: {  	_ =	shalt  }
0x63: {  	_ =	shalt  }
0x64: {  	_ =	shalt  }
0x65: {  	_ =	shalt  }
0x66: {  	_ =	shalt  }
0x67: {  	_ =	shalt  }
0x68: {  	_ =	shalt  }
0x69: {  	_ =	shalt  }
0x6a: {  	_ =	shalt  }
0x6b: {  	_ =	shalt  }
0x6c: {  	_ =	shalt  }
0x6d: {  	_ =	shalt  }
0x6e: {  	_ =	shalt  }
0x6f: {  	_ =	shalt  }
0x70: {  	_ =	shalt  }
0x71: {  	_ =	shalt  }
0x72: {  	_ =	shalt  }
0x73: {  	_ =	shalt  }
0x74: {  	_ =	shalt  }
0x75: {  	_ =	shalt  }
0x76: {  	_ =	shalt  }
0x77: {  	_ =	shalt  }
0x78: {  	_ =	shalt  }
0x79: {  	_ =	shalt  }
0x7a: {  	_ =	shalt  }
0x7b: {  	_ =	shalt  }
0x7c: {  	_ =	shalt  }
0x7d: {  	_ =	shalt  }
0x7e: {  	_ =	shalt  }
0x7f: {  	_ =	shalt  }
0x80: {  	_ =	shalt  }
0x81: {  	_ =	shalt  }
0x82: {  	_ =	shalt  }
0x83: {  	_ =	shalt  }
0x84: {  	_ =	shalt  }
0x85: {  	_ =	shalt  }
0x86: {  	_ =	shalt  }
0x87: {  	_ =	shalt  }
.Lfunc_end0:
.L_simem_size_0:
called_computation_lowered:
.L_overlay_start_0:
0x88: {  	s2 =	sld [smem:$0x3FD9]  }
0x89: {  	s3 =	sld [smem:$0x3FFE];
	_ =	sdelay $0x1  }
0x8a: {  	s1 =	srdreg.scid  }
0x8b: {  	s0 =	sand.u32 $0x1, s1  }
0x8c: {  	s17 =	sshll.u32 s0, $0xA;
	s2 =	sadd.s32 s3, s2  }
0x8d: {  	s2 =	sadd.s32 s2, s17  }
0x8e: {  	[smem:$0x3FC3] =	sst s2  }
0x8f: {  	_ = 	snop  }
0x90: {  	s2 =	sld [smem:$0x3FC6]  }
0x91: {  	s18 =	sld [smem:$0x3FD0];
	(tm) =	ssettm $0x1  }
0x92: {  	s4 =	sld [smem:$0x3FFB];
	_ =	sdelay $0x3  }
0x93: {  	_ =	strace s4  }
0x94: {  	s4 =	sld [smem:$0x3FFC];
	_ =	sdelay $0x3  }
0x95: {  	_ =	strace s4  }
0x96: {  	s4 =	sld [smem:$0x3FFD];
	_ =	sdelay $0x3  }
0x97: {  	_ =	strace s4  }
0x98: {  	_ =	strace $0x8FFFFFFF  }
0x99: {  	s19 =	sld [smem:$0x3FDB];
	_ =	sdelay $0x1  }
0x9a: {  	s5 =	simm.s32 $_scs_section_size  }
0x9b: {  	s6 =	simm.s32 $_size__tile_overlayer_lowered;
	s7 =	simm.s32 $_tile_overlayer_lowered  }
0x9c: {  	s22 =	simm.s32 $0x1BFF;
	s21 =	sshll.u32 s7, $0x1;
	s4 =	sadd.s32 s5, s19  }
0x9d: {  	s8 =	simm.s32 $0x0;
	s20 =	sshll.u32 s6, $0x1;
	s6 =	sadd.s32 s21, s4  }
0x9e: {  	[timem:s8], [sflag:s22] =	dma.local [hbm:s6], s20  }
0x9f: {  	_ =	swait.ge [sflag:s22], s20  }
0xa0: {  	s5 =	ssub.s32 $0x0, s20;
	[sflag:s22] =	ssyncset.done $0x0  }
0xa1: {  	[sflag:s22] =	ssyncadd.s32 s5;
	_ =	sdelay $0x1  }
0xa2: {  	s23 =	simm.s32 $0x1B8B  }
0xa3: {  	_ =	swait.ge [sflag:s23], $0x1  }
0xa4: {  	[sflag:s23] =	ssyncset.done $0x0  }
0xa5: {  	s25 =	simm.s32 $0x1B8E;
	s24 =	sld [smem:$0x3FFE];
	[sflag:s23] =	ssyncadd.s32 $0xFFFFFFFF  }
0xa6: {  	s26 =	simm.s32 $execute0_lowered;
	[smem:$0x3FD2] =	sst s25  }
0xa7: {  	s6 =	sshll.u32 s26, $0x1;
	_ =	strace $0x80000046;
	[dreg:$0x1] =	wrdreg $0xFFFFFFFF  }
0xa8: {  	s28 =	simm.s32 $_size_execute0_lowered;
	s4 =	sadd.s32 s4, s6;
	[dreg:$0x0] =	wrdreg $0x0  }
0xa9: {  	s6 =	sshll.u32 s28, $0x1;
	[dreg:$0x2] =	wrdreg s4  }
0xaa: {  	[dreg:$0x3] =	wrdreg s6  }
0xab: {  	[dreg:$0x4] =	wrdreg $0xC0  }
0xac: {  	_ =	task [dreg:s8], $0x5FFFF  }
0xad: {  	[dreg:$0x1] =	wrdreg $0xFFFFFFFF  }
0xae: {  	[dreg:$0x0] =	wrdreg $0x60  }
0xaf: {  	[dreg:$0x2] =	wrdreg s24  }
0xb0: {  	[dreg:$0x3] =	wrdreg s2  }
0xb1: {  	[dreg:$0x4] =	wrdreg s18  }
0xb2: {  	[dreg:$0x5] =	wrdreg $0x9  }
0xb3: {  	_ =	task.clear_ibuf [dreg:s8], $0x6FFFF;
	_ =	strace $0x90000046  }
0xb4: {  	s29 =	simm.s32 $0x9;
	_ =	strace $0x80000048  }
0xb5: {  	_ =	swait.ge [sflag:s29], $0x1  }
0xb6: {  	[sflag:s29] =	ssyncadd.s32 $0xFFFFFFFF  }
0xb7: {  	_ =	strace $0x90000048  }
0xb8: {  	_ =	sfence  }
0xb9: {  	s30 =	sld [smem:$0x0];
	_ =	sdelay $0x2  }
0xba: {  	s31 =	sshll.u32 s1, $0xD;
	s1 =	sshrl.u32 s1, $0x2  }
0xbb: {  	s3 =	sand.u32 $0x4000, s31;
	s1 =	sadd.s32 s1, s30  }
0xbc: {  	s0 =	sor.u32 s3, s0;
	s1 =	sshll.u32 s1, $0x11  }
0xbd: {  	s0 =	sor.u32 s1, s0  }
0xbe: {  	s0 =	sadd.s32 $0x8F2B, s0  }
0xbf: {  	[sflag:s0] =	ssyncadd.remote.s32 $0x1  }
0xc0: {  	_ =	sfence.sel $0xFFFF  }
0xc1: {  	[dreg:$0x0] =	wrdreg $0xFFFFFFFF;
	(pc) =	sbr.abs _section_cstart, $3  }
0xc2: {  	[dreg:$0x1] =	wrdreg $0xFFFFFFFF  }
0xc3: {  	_ =	task.clear_ibuf [dreg:s8], $0x2FFFF;
	_ =	strace $0x9FFFFFFF  }
0xc4: {  	(tm) =	ssettm $0x7FFFFFFF  }
0xc5: {  	_ =	shalt  }
tec
execute0_lowered:
.L_overlay_start_1:
0x0: {  	(tag) =	ssettag $0x1  }
0x1: {  	s0 =	rddreg [dreg:$0x0]  }
0x2: {  	s1 =	rddreg [dreg:$0x1];
	s2 =	simm.s32 $0x0  }
0x3: {  	s22 =	srdreg.scid;
	s6 =	stileid.u32;
	s16 =	simm.s32 $0x1  }
0x4: {  	s28 =	simm.s32 $0x6000;
	s29 =	simm.s32 $0x6800;
	s30 =	simm.s32 $0x7000  }
0x5: {  	s11 =	simm.s32 $0x0;
	[smem:$0x7FF] =	sst s2;
	s20 =	sadd.s32 $0xA2000, s0  }
0x6: {  	s21 =	sadd.s32 $0x2000, s0;
	_ =	strace $0x80000047;
	[dreg:$0x4] =	wrdreg s20  }
0x7: {  	s3 =	sadd.s32 $0x52000, s0;
	s7 =	sadd.s32 $0x273000, s0;
	[dreg:$0x5] =	wrdreg s21  }
0x8: {  	s2 =	sand.u32 $0x1, s22;
	s23 =	sadd.s32 $0xBB000, s0;
	[dreg:$0x6] =	wrdreg s3  }
0x9: {  	s26 =	smul.u32 $0x280, s6;
	s22 =	simm.s32 $0x3800;
	[dreg:$0x7] =	wrdreg s23  }
0xa: {  	s24 =	sshll.u32 s2, $0x4;
	s4 =	ssub.s32 $0x2, s2;
	s8 =	smul.u32 $0x13880, s2  }
0xb: {  	s2 =	smul.u32 $0x280000, s2;
	s21 =	simm.s32 $0x20;
	s23 =	simm.s32 $0x4000  }
.Ltmp0:
0xc: {  	s5 =	sshrl.u32 s4, $0x1;
	[dreg:$0x9] =	wrdreg s26;
	(pc) =	sbr.rel .LBB2_1-.Ltmp0, $4  }
0xd: {  	s0 =	sadd.s32 s24, s0;
	s24 =	simm.s32 $0x4800;
	[dreg:$0xa] =	wrdreg s2  }
0xe: {  	v1 =	vimm.f32 $0.0e+00;
	v2 =	vlaneseq.u32;
	v3 =	vimm.s32 $0x0;
	s25 =	ssub.s32 s4, s5;
	s0 =	sadd.s32 $0xA7000, s0;
	[dreg:$0x8] =	wrdreg s8  }
0xf: {  	vm0 =	vmmov $0xffff;
	v4 =	vand.u32 $0x7, v2;
	v5 =	vshrl.u32 v2, $0x3;
	s26 =	simm.s32 $0x5800;
	[dreg:$0xb] =	wrdreg s0;
	s31 =	smax.u32 s25, $0x1  }
0x10: {  	v6 =	vor.u32 $0x8, v2;
	v5 =	vmul.u32 $0x8, v5;
	v0 =	vmov s8;
	s2 =	simm.s32 $0x0;
	s25 =	simm.s32 $0x5000;
	[dreg:$0xc] =	wrdreg s31  }
.LBB2_15:
0x11: {  	s2 =	rddreg [dreg:$0xd]  }
0x12: {  	s0 =	rddreg [dreg:$0xc];
	s2 =	sadd.s32 $0x1, s2  }
0x13: {  	p0 =	sne.s32 s2, s0  }
.Ltmp1:
0x14: {  	_ = 	snop;
	(pc) =	sbr.rel @!p0 .LBB2_16-.Ltmp1, $1  }
0x15: {  	_ =	sdelay $0x3  }
.LBB2_1:
.Ltmp2:
0x16: {  	(pc) =	sbr.rel .LBB2_2-.Ltmp2, $2  }
0x17: {  	_ =	sdelay $0x2  }
0x18: {  	[dreg:$0xd] =	wrdreg s2;
	s10 =	simm.s32 $0x0  }
.LBB2_14:
0x19: {  	s5 =	rddreg [dreg:$0xf]  }
0x1a: {  	s2 =	rddreg [dreg:$0xa];
	s0 =	sshll.u32 s5, $0x8  }
0x1b: {  	s0 =	sadd.s32 s2, s0  }
0x1c: {  	s12 =	rddreg [dreg:$0x2];
	s3 =	simm.s32 $0x0;
	s0 =	sshrl.u32 s0, $0x3  }
0x1d: {  	s4 =	simm.s32 $0x8800;
	s13 =	simm.s32 $0x2;
	s2 =	sadd.s32 s12, s0  }
0x1e: {  	[hbm4b:s2+s3] =	stream.linear.scatter [tilespmem:s4], [sflag:$0x2], $0xA000, $0x38;
	[tilespmem:$0x1DC00] =	vst v63  }
0x1f: {  	_ =	swait.ge [sflag:s13], $0xA000  }
0x20: {  	[sflag:s13] =	ssyncset.done $0x0;
	s14 =	rddreg [dreg:$0x7]  }
0x21: {  	s15 =	simm.s32 $0x12800;
	[sflag:s13] =	ssyncadd.s32 $0xFFFF6000;
	s0 =	sadd.s32 s14, s0  }
0x22: {  	[hbm4b:s0+s3] =	stream.linear.scatter [tilespmem:s15], [sflag:$0x2], $0xA000, $0x38;
	[tilespmem:$0x1DC00] =	vst v63  }
0x23: {  	s19 =	simm.s32 $0x80;
	s20 =	simm.s32 $0x100;
	_ =	swait.ge [sflag:s13], $0xA000  }
0x24: {  	s17 =	sshll.u32 s5, $0x3;
	[sflag:s13] =	ssyncset.done $0x0;
	s18 =	rddreg [dreg:$0xb]  }
0x25: {  	s31 =	simm.s32 $0x1C800;
	[sflag:s13] =	ssyncadd.s32 $0xFFFF6000;
	s0 =	sadd.s32 s17, s18  }
0x26: {  	[hbm4b:s0+s19] =	stream.strided.scatter [tilespmem:s31], [sflag:$0x2], $0x1400, s20, s19, $0x38;
	[tilespmem:$0x1DC00] =	vst v63  }
0x27: {  	_ =	swait.ge [sflag:s13], $0x1400  }
0x28: {  	s10 =	rddreg [dreg:$0xe]  }
0x29: {  	s10 =	sadd.s32 $0x1, s10  }
0x2a: {  	p0 =	sne.s32 s10, $0x4  }
.Ltmp3:
0x2b: {  	_ = 	snop;
	(pc) =	sbr.rel @!p0 .LBB2_15-.Ltmp3, $3  }
0x2c: {  	_ =	sdelay $0x1  }
0x2d: {  	[sflag:s13] =	ssyncset.done $0x0  }
0x2e: {  	[sflag:s13] =	ssyncadd.s32 $0xFFFFEC00  }
.LBB2_2:
0x2f: {  	s0 =	simm.s32 $0x0;
	s2 =	simm.s32 $0x0  }
.LBB2_3:
0x30: {  	s4 =	sshll.u32 s2, $0x8;
	s3 =	sshll.u32 s2, $0x7  }
0x31: {  	s4 =	sand.u32 $0xF800, s4;
	s5 =	sand.u32 $0x380, s3  }
0x32: {  	s31 =	sand.u32 $0x400, s0;
	s4 =	sor.u32 s4, s5  }
0x33: {  	s6 =	sand.u32 $0x70, s0;
	s8 =	sor.u32 s31, s4  }
0x34: {  	s5 =	simm.s32 $0x10;
	s8 =	sor.u32 s6, s8;
	s6 =	simm.s32 $0x0  }
.LBB2_4:
0x35: {  	p0 =	seq.s32 s5, $0xF0  }
0x36: {  	[tilespmem:s8+$0x8800] =	vst v1;
	s6 =	sadd.s32 $0x80, s6;
	s9 =	smov.u32 s5;
	s5 =	sadd.s32 $0x10, s5  }
.Ltmp4:
0x37: {  	[tilespmem:s8+$0x12800] =	vst v1;
	(pc) =	sbr.rel @!p0 .LBB2_4-.Ltmp4, $4  }
0x38: {  	_ = 	snop  }
0x39: {  	s8 =	sand.u32 $0x400, s6  }
0x3a: {  	s9 =	sand.u32 $0x70, s9;
	s8 =	sor.u32 s8, s4  }
0x3b: {  	s8 =	sor.u32 s9, s8  }
0x3c: {  	s2 =	sadd.s32 $0x1, s2  }
0x3d: {  	p0 =	seq.s32 s2, $0xA0  }
.Ltmp5:
0x3e: {  	_ = 	snop;
	(pc) =	sbr.rel @!p0 .LBB2_3-.Ltmp5, $4  }
0x3f: {  	[tilespmem:s8+$0x8800] =	vst v1  }
0x40: {  	[tilespmem:s8+$0x12800] =	vst v1;
	s3 =	sshrl.u32 s3, $0x2  }
0x41: {  	[tilespmem:s3+$0x1C800] =	vst v1  }
0x42: {  	[tilespmem:s3+$0x1C810] =	vst v1  }
0x43: {  	[dreg:$0xe] =	wrdreg s10  }
0x44: {  	s0 =	smul.u32 $0xA0, s10;
	s2 =	rddreg [dreg:$0x9]  }
.Ltmp6:
0x45: {  	s3 =	rddreg [dreg:$0x5];
	(pc) =	sbr.rel .LBB2_7-.Ltmp6, $4  }
0x46: {  	s31 =	rddreg [dreg:$0x6]  }
0x47: {  	s6 =	simm.s32 $0x0;
	s10 =	rddreg [dreg:$0x8];
	s4 =	sadd.s32 s2, s0  }
0x48: {  	s5 =	simm.s32 $0x0;
	s0 =	sshll.u32 s4, $0x5;
	s2 =	sadd.s32 $0xA0, s4  }
0x49: {  	[dreg:$0xf] =	wrdreg s4;
	v7 =	vmov s4;
	s8 =	sadd.s32 s3, s0;
	v8 =	vmov s2;
	s14 =	sadd.s32 s31, s0  }
.LBB2_13:
0x4a: {  	s5 =	sadd.s32 $0x1, s5  }
0x4b: {  	p0 =	sne.s32 s5, $0x28  }
.Ltmp7:
0x4c: {  	_ = 	snop;
	(pc) =	sbr.rel @!p0 .LBB2_14-.Ltmp7, $2  }
0x4d: {  	_ =	sdelay $0x2  }
0x4e: {  	s10 =	sadd.s32 $0x7D0, s10;
	s6 =	simm.s32 $0x0  }
.LBB2_7:
0x4f: {  	s0 =	smul.u32 $0x7D0, s5  }
0x50: {  	s2 =	rddreg [dreg:$0x8]  }
0x51: {  	s0 =	sadd.s32 s2, s0  }
0x52: {  	s19 =	rddreg [dreg:$0x4];
	s0 =	sshrl.u32 s0, $0x3  }
0x53: {  	s20 =	simm.s32 $0x2;
	s0 =	sadd.s32 s19, s0  }
0x54: {  	[tilespmem:s6], [sflag:$0x2] =	stream.linear.gather [hbm4b:s0+s6], $0x7D0, $0x38;
	[tilespmem:$0x1DC00] =	vst v63  }
0x55: {  	_ =	swait.ge [sflag:s20], $0x7D0  }
0x56: {  	[sflag:s20] =	ssyncset.done $0x0  }
0x57: {  	s31 =	simm.s32 $0x0;
	[sflag:s20] =	ssyncadd.s32 $0xFFFFF830  }
0x58: {  	v9 =	vld [tilespmem:s31+$0x0];
	_ =	sdelay $0x4  }
0x59: {  	vm1 =	vge.s32 v9, v7;
	vm2 =	vlt.s32 v9, v8  }
0x5a: {  	vm1 =	vmand vm1, vm2  }
0x5b: {  	v10 =	vsel vm1, $0x1, v3  }
0x5c: {  	(xrf0) =	vadd.scan.msk.s32 $0xffff, v10;
	_ =	sdelay $0x5  }
0x5d: {  	v9 =	vsub.s32 v9, v7;
	v10, _, _ =	vpop (xrf0)  }
0x5e: {  	s4 =	simm.s32 $0x10;
	[tilespmem:s6+$0x1000] =	vst.msk vm1, v9;
	v9 =	vor.u32 s10, v2;
	(v2sf) =	vpush v10, $0xF  }
0x5f: {  	s3 =	simm.s32 $0x80;
	s2 =	smov.u32 s10;
	s0 =	simm.s32 $0x0;
	[tilespmem:s6+$0x800] =	vst.msk vm1, v9  }
.LBB2_8:
0x60: {  	p0 =	seq.s32 s3, $0x1F00;
	v9 =	vld [tilespmem:s4+$0x0];
	_ =	sdelay $0x4  }
0x61: {  	vm1 =	vge.s32 v9, v7;
	vm2 =	vlt.s32 v9, v8;
	v9 =	vsub.s32 v9, v7  }
0x62: {  	vm1 =	vmand vm1, vm2  }
0x63: {  	v10 =	vsel vm1, $0x1, v3  }
0x64: {  	(xrf0) =	vadd.scan.msk.s32 $0xffff, v10;
	_ =	sdelay $0x3  }
.Ltmp8:
0x65: {  	(pc) =	sbr.rel @!p0 .LBB2_8-.Ltmp8, $4  }
0x66: {  	s4 =	spop (v2sf)  }
0x67: {  	s2 =	sadd.s32 $0x10, s2;
	v10, _, _ =	vpop (xrf0);
	s0 =	sadd.s32 s0, s4  }
0x68: {  	[tilespmem:s0+$0x1000] =	vst.msk vm1, v9;
	v9 =	vor.u32 s2, v2;
	(v2sf) =	vpush v10, $0xF  }
0x69: {  	s4 =	sshra.s32 s3, $0x2;
	s3 =	sadd.s32 $0x40, s3;
	[tilespmem:s0+$0x800] =	vst.msk vm1, v9  }
0x6a: {  	v9 =	vld [tilespmem:s4+$0x0];
	_ =	sdelay $0x4  }
0x6b: {  	vm1 =	vge.s32 v9, v7;
	vm2 =	vlt.s32 v9, v8  }
0x6c: {  	vm1 =	vmand vm1, vm2  }
0x6d: {  	v10 =	vsel vm1, $0x1, v3  }
0x6e: {  	(xrf0) =	vadd.scan.msk.s32 $0xffff, v10;
	_ =	sdelay $0x5  }
0x6f: {  	v10, _, _ =	vpop (xrf0)  }
0x70: {  	(v2sf) =	vpush v10, $0xF;
	_ =	sdelay $0xd  }
0x71: {  	s3 =	spop (v2sf)  }
0x72: {  	s2 =	sadd.s32 $0x10, s2;
	v9 =	vsub.s32 v9, v7;
	s0 =	sadd.s32 s0, s3;
	s18 =	spop (v2sf)  }
0x73: {  	[tilespmem:s0+$0x1000] =	vst.msk vm1, v9;
	v9 =	vor.u32 s2, v2;
	s6 =	sadd.s32 s0, s18  }
0x74: {  	[tilespmem:s0+$0x800] =	vst.msk vm1, v9;
	s0 =	sadd.s32 $0x1F, s6  }
0x75: {  	s19 =	sand.u32 $0x1F, s0  }
0x76: {  	s20 =	sshra.s32 s0, $0x1F;
	p0 =	slt.s32 s0, $0x1;
	p1 =	sne.s32 s19, $0x0  }
0x77: {  	s31 =	sshrl.u32 s20, $0x1B;
	p0 =	por !p0, !p1  }
0x78: {  	s2 =	simm.s32 $0x1;
	s0 =	sadd.s32 s31, s0;
	p0 =	por !p0, !p0  }
0x79: {  	s0 =	sshra.s32 s0, $0x5;
	s2 =	simm.s32 @!p0 $0x0  }
0x7a: {  	s9 =	ssub.s32 s0, s2  }
0x7b: {  	p0 =	sgt.s32 s9, $0x0  }
.Ltmp9:
0x7c: {  	_ = 	snop;
	(pc) =	sbr.rel @!p0 .LBB2_13-.Ltmp9, $4  }
0x7d: {  	[tilespmem:s6+$0x800] =	vst v0  }
0x7e: {  	[tilespmem:s6+$0x1000] =	vst v3  }
0x7f: {  	[tilespmem:s6+$0x810] =	vst v0  }
0x80: {  	s4 =	simm.s32 $0x1000;
	s3 =	simm.s32 $0x0;
	[tilespmem:s6+$0x1010] =	vst v3;
	s0 =	simm.s32 $0x0  }
.LBB2_10:
0x81: {  	s2 =	sshll.u32 s0, $0x5  }
0x82: {  	v9 =	vld [tilespmem:s2+$0x800];
	_ =	sdelay $0x4  }
0x83: {  	v10 =	vshll.u32 v9, $0x1  }
0x84: {  	v9 =	vand.u32 $0x7, v9;
	v10 =	vand.u32 $0xFFFFFFF0, v10  }
0x85: {  	v9 =	vor.u32 v9, v10  }
0x86: {  	v10 =	vperm.xlane v9, v4;
	_ =	sdelay $0x1  }
0x87: {  	v9 =	vperm.xlane v9, v6;
	v10 =	vadd.s32 v5, v10;
	_ =	sdelay $0x1  }
0x88: {  	v9 =	vadd.s32 v5, v9;
	_ =	sdelay $0x1  }
0x89: {  	s12 =	simm.s32 $0x1800  }
0x8a: {  	[tilespmem:s12], [sflag:$0x1] =	stream.indirect_vreg.gather [hbm4b:s1+s11], $0x80, v10, vm0, $0xb8;
	[tilespmem:$0x1DC00] =	vst v63  }
0x8b: {  	s17 =	simm.s32 $0x2000  }
0x8c: {  	[tilespmem:s17], [sflag:$0x1] =	stream.indirect_vreg.gather [hbm4b:s1+s11], $0x80, v9, vm0, $0xb8;
	[tilespmem:$0x1DC00] =	vst v63  }
0x8d: {  	v9 =	vld [tilespmem:s2+$0x810];
	_ =	sdelay $0x4  }
0x8e: {  	v10 =	vshll.u32 v9, $0x1  }
0x8f: {  	v9 =	vand.u32 $0x7, v9;
	v10 =	vand.u32 $0xFFFFFFF0, v10  }
0x90: {  	v9 =	vor.u32 v9, v10  }
0x91: {  	v10 =	vperm.xlane v9, v4;
	_ =	sdelay $0x1  }
0x92: {  	v9 =	vperm.xlane v9, v6;
	v10 =	vadd.s32 v5, v10;
	_ =	sdelay $0x1  }
0x93: {  	v9 =	vadd.s32 v5, v9;
	_ =	sdelay $0x1  }
0x94: {  	s18 =	simm.s32 $0x2800  }
0x95: {  	[tilespmem:s18], [sflag:$0x1] =	stream.indirect_vreg.gather [hbm4b:s1+s11], $0x80, v10, vm0, $0xb8;
	[tilespmem:$0x1DC00] =	vst v63  }
0x96: {  	s19 =	simm.s32 $0x3000  }
0x97: {  	[tilespmem:s19], [sflag:$0x1] =	stream.indirect_vreg.gather [hbm4b:s1+s11], $0x80, v9, vm0, $0xb8;
	[tilespmem:$0x1DC00] =	vst v63  }
0x98: {  	s31 =	simm.s32 $0x7800;
	s20 =	sadd.s32 $0x800, s2  }
0x99: {  	[tilespmem:s31], [sflag:$0x1] =	stream.indirect.gather [hbm4b:s7+s21], $0x80, s20, s21, $0xb8;
	[tilespmem:$0x1DC00] =	vst v63  }
0x9a: {  	v9 =	vld [tilespmem:s2+$0x1000];
	_ =	sdelay $0x4  }
0x9b: {  	v10 =	vshll.u32 v9, $0x1  }
0x9c: {  	v9 =	vand.u32 $0x7, v9;
	v10 =	vand.u32 $0xFFFFFFF0, v10  }
0x9d: {  	v9 =	vor.u32 v9, v10  }
0x9e: {  	v10 =	vperm.xlane v9, v4;
	_ =	sdelay $0x1  }
0x9f: {  	v9 =	vperm.xlane v9, v6;
	v10 =	vadd.s32 v5, v10;
	_ =	sdelay $0x1  }
0xa0: {  	v9 =	vadd.s32 v5, v9;
	_ =	sdelay $0x2  }
0xa1: {  	[tilespmem:s22], [sflag:$0x1] =	stream.indirect_vreg.gather [hbm4b:s8+s11], $0x80, v10, vm0, $0xb8;
	[tilespmem:$0x1DC00] =	vst v63  }
0xa2: {  	_ = 	snop  }
0xa3: {  	[tilespmem:s23], [sflag:$0x1] =	stream.indirect_vreg.gather [hbm4b:s8+s11], $0x80, v9, vm0, $0xb8;
	[tilespmem:$0x1DC00] =	vst v63  }
0xa4: {  	v9 =	vld [tilespmem:s2+$0x1010];
	_ =	sdelay $0x4  }
0xa5: {  	v10 =	vshll.u32 v9, $0x1  }
0xa6: {  	v9 =	vand.u32 $0x7, v9;
	v10 =	vand.u32 $0xFFFFFFF0, v10  }
0xa7: {  	v9 =	vor.u32 v9, v10  }
0xa8: {  	v10 =	vperm.xlane v9, v4;
	_ =	sdelay $0x1  }
0xa9: {  	v9 =	vperm.xlane v9, v6;
	v10 =	vadd.s32 v5, v10;
	_ =	sdelay $0x1  }
0xaa: {  	v9 =	vadd.s32 v5, v9;
	_ =	sdelay $0x2  }
0xab: {  	[tilespmem:s24], [sflag:$0x1] =	stream.indirect_vreg.gather [hbm4b:s8+s11], $0x80, v10, vm0, $0xb8;
	[tilespmem:$0x1DC00] =	vst v63  }
0xac: {  	_ = 	snop  }
0xad: {  	[tilespmem:s25], [sflag:$0x1] =	stream.indirect_vreg.gather [hbm4b:s8+s11], $0x80, v9, vm0, $0xb8;
	[tilespmem:$0x1DC00] =	vst v63  }
0xae: {  	v9 =	vld [tilespmem:s2+$0x1000];
	_ =	sdelay $0x4  }
0xaf: {  	v10 =	vshll.u32 v9, $0x1  }
0xb0: {  	v9 =	vand.u32 $0x7, v9;
	v10 =	vand.u32 $0xFFFFFFF0, v10  }
0xb1: {  	v9 =	vor.u32 v9, v10  }
0xb2: {  	v10 =	vperm.xlane v9, v4;
	_ =	sdelay $0x1  }
0xb3: {  	v9 =	vperm.xlane v9, v6;
	v10 =	vadd.s32 v5, v10;
	_ =	sdelay $0x1  }
0xb4: {  	v9 =	vadd.s32 v5, v9;
	_ =	sdelay $0x2  }
0xb5: {  	[tilespmem:s26], [sflag:$0x1] =	stream.indirect_vreg.gather [hbm4b:s14+s11], $0x80, v10, vm0, $0xb8;
	[tilespmem:$0x1DC00] =	vst v63  }
0xb6: {  	_ = 	snop  }
0xb7: {  	[tilespmem:s28], [sflag:$0x1] =	stream.indirect_vreg.gather [hbm4b:s14+s11], $0x80, v9, vm0, $0xb8;
	[tilespmem:$0x1DC00] =	vst v63  }
0xb8: {  	v9 =	vld [tilespmem:s2+$0x1010];
	_ =	sdelay $0x4  }
0xb9: {  	v10 =	vshll.u32 v9, $0x1  }
0xba: {  	v9 =	vand.u32 $0x7, v9;
	v10 =	vand.u32 $0xFFFFFFF0, v10  }
0xbb: {  	v9 =	vor.u32 v9, v10  }
0xbc: {  	v10 =	vperm.xlane v9, v4;
	_ =	sdelay $0x1  }
0xbd: {  	v9 =	vperm.xlane v9, v6;
	v10 =	vadd.s32 v5, v10;
	_ =	sdelay $0x1  }
0xbe: {  	v9 =	vadd.s32 v5, v9;
	_ =	sdelay $0x2  }
0xbf: {  	[tilespmem:s29], [sflag:$0x1] =	stream.indirect_vreg.gather [hbm4b:s14+s11], $0x80, v10, vm0, $0xb8;
	[tilespmem:$0x1DC00] =	vst v63  }
0xc0: {  	_ = 	snop  }
0xc1: {  	[tilespmem:s30], [sflag:$0x1] =	stream.indirect_vreg.gather [hbm4b:s14+s11], $0x80, v9, vm0, $0xb8;
	[tilespmem:$0x1DC00] =	vst v63  }
0xc2: {  	_ =	swait.ge [sflag:s16], $0x2000  }
0xc3: {  	[sflag:s16] =	ssyncset.done $0x0  }
0xc4: {  	[sflag:s16] =	ssyncadd.s32 $0xFFFFE000  }
0xc5: {  	_ =	swait.ge [sflag:s16], $0x1000  }
0xc6: {  	[sflag:s16] =	ssyncset.done $0x0  }
0xc7: {  	[sflag:s16] =	ssyncadd.s32 $0xFFFFF000  }
0xc8: {  	_ =	swait.ge [sflag:s16], $0x2000  }
0xc9: {  	[sflag:s16] =	ssyncset.done $0x0  }
0xca: {  	[sflag:s16] =	ssyncadd.s32 $0xFFFFE000  }
0xcb: {  	_ =	swait.ge [sflag:s16], $0x2000  }
0xcc: {  	s13 =	smov.u32 s3;
	s15 =	simm.s32 $0x0;
	[sflag:s16] =	ssyncset.done $0x0  }
0xcd: {  	s12 =	smov.u32 s4;
	s2 =	simm.s32 $0x0;
	[sflag:s16] =	ssyncadd.s32 $0xFFFFE000  }
.LBB2_11:
0xce: {  	v9 =	vld [tilespmem:s12+$0x0];
	_ =	sdelay $0x4  }
0xcf: {  	(v2sf) =	vpush v9, $0x0;
	_ =	sdelay $0x8  }
0xd0: {  	s17 =	sand.u32 $0x1800, s2;
	s18 =	sand.u32 $0x380, s15  }
0xd1: {  	s19 =	sor.u32 s18, s17  }
0xd2: {  	v9 =	vld [tilespmem:s19+$0x1800]  }
0xd3: {  	v10 =	vld [tilespmem:s19+$0x3800]  }
0xd4: {  	v11 =	vld [tilespmem:s19+$0x5800];
	_ =	sdelay $0x1  }
0xd5: {  	p0 =	slt.s32 s13, s6;
	s18 =	spop (v2sf)  }
0xd6: {  	v9 =	vpsel !p0, $0x0, v9;
	s20 =	sshll.u32 s18, $0x8;
	s17 =	sshll.u32 s18, $0x7  }
0xd7: {  	v10 =	vmul.f32 v10, v9;
	s18 =	sand.u32 $0xFFFFF800, s20;
	s20 =	sand.u32 $0x380, s17  }
0xd8: {  	v9 =	vmul.f32 v11, v9;
	s18 =	sor.u32 s20, s18  }
0xd9: {  	[tilespmem:s18+$0x8800] =	vst.add.f32.msk $0xffff, v10  }
0xda: {  	[tilespmem:s18+$0x12800] =	vst.add.f32.msk $0xffff, v9  }
0xdb: {  	v11 =	vld [tilespmem:s19+$0x1810]  }
0xdc: {  	v12 =	vld [tilespmem:s19+$0x3810]  }
0xdd: {  	v13 =	vld [tilespmem:s19+$0x5810];
	_ =	sdelay $0x2  }
0xde: {  	v11 =	vpsel !p0, $0x0, v11  }
0xdf: {  	v12 =	vmul.f32 v12, v11  }
0xe0: {  	v11 =	vmul.f32 v13, v11  }
0xe1: {  	[tilespmem:s18+$0x8810] =	vst.add.f32.msk $0xffff, v12  }
0xe2: {  	[tilespmem:s18+$0x12810] =	vst.add.f32.msk $0xffff, v11  }
0xe3: {  	v44 =	vld [tilespmem:s19+$0x1820]  }
0xe4: {  	v14 =	vld [tilespmem:s19+$0x3820]  }
0xe5: {  	v15 =	vld [tilespmem:s19+$0x5820];
	_ =	sdelay $0x2  }
0xe6: {  	v13 =	vpsel !p0, $0x0, v44  }
0xe7: {  	v14 =	vmul.f32 v14, v13  }
0xe8: {  	v13 =	vmul.f32 v15, v13  }
0xe9: {  	[tilespmem:s18+$0x8820] =	vst.add.f32.msk $0xffff, v14  }
0xea: {  	[tilespmem:s18+$0x12820] =	vst.add.f32.msk $0xffff, v13  }
0xeb: {  	v45 =	vld [tilespmem:s19+$0x1830]  }
0xec: {  	v16 =	vld [tilespmem:s19+$0x3830]  }
0xed: {  	v17 =	vld [tilespmem:s19+$0x5830];
	_ =	sdelay $0x2  }
0xee: {  	v15 =	vpsel !p0, $0x0, v45  }
0xef: {  	v16 =	vmul.f32 v16, v15  }
0xf0: {  	v15 =	vmul.f32 v17, v15  }
0xf1: {  	[tilespmem:s18+$0x8830] =	vst.add.f32.msk $0xffff, v16  }
0xf2: {  	[tilespmem:s18+$0x12830] =	vst.add.f32.msk $0xffff, v15  }
0xf3: {  	v46 =	vld [tilespmem:s19+$0x1840]  }
0xf4: {  	v18 =	vld [tilespmem:s19+$0x3840]  }
0xf5: {  	v19 =	vld [tilespmem:s19+$0x5840];
	_ =	sdelay $0x2  }
0xf6: {  	v17 =	vpsel !p0, $0x0, v46  }
0xf7: {  	v18 =	vmul.f32 v18, v17  }
0xf8: {  	v17 =	vmul.f32 v19, v17  }
0xf9: {  	[tilespmem:s18+$0x8840] =	vst.add.f32.msk $0xffff, v18  }
0xfa: {  	[tilespmem:s18+$0x12840] =	vst.add.f32.msk $0xffff, v17  }
0xfb: {  	v47 =	vld [tilespmem:s19+$0x1850]  }
0xfc: {  	v20 =	vld [tilespmem:s19+$0x3850]  }
0xfd: {  	v21 =	vld [tilespmem:s19+$0x5850];
	_ =	sdelay $0x2  }
0xfe: {  	v19 =	vpsel !p0, $0x0, v47  }
0xff: {  	v20 =	vmul.f32 v20, v19  }
0x100: {  	v19 =	vmul.f32 v21, v19  }
0x101: {  	[tilespmem:s18+$0x8850] =	vst.add.f32.msk $0xffff, v20  }
0x102: {  	[tilespmem:s18+$0x12850] =	vst.add.f32.msk $0xffff, v19  }
0x103: {  	v48 =	vld [tilespmem:s19+$0x1860]  }
0x104: {  	v22 =	vld [tilespmem:s19+$0x3860]  }
0x105: {  	v23 =	vld [tilespmem:s19+$0x5860];
	_ =	sdelay $0x2  }
0x106: {  	v21 =	vpsel !p0, $0x0, v48  }
0x107: {  	v22 =	vmul.f32 v22, v21  }
0x108: {  	v21 =	vmul.f32 v23, v21  }
0x109: {  	[tilespmem:s18+$0x8860] =	vst.add.f32.msk $0xffff, v22  }
0x10a: {  	[tilespmem:s18+$0x12860] =	vst.add.f32.msk $0xffff, v21  }
0x10b: {  	v49 =	vld [tilespmem:s19+$0x1870]  }
0x10c: {  	v24 =	vld [tilespmem:s19+$0x3870]  }
0x10d: {  	v25 =	vld [tilespmem:s19+$0x5870];
	_ =	sdelay $0x2  }
0x10e: {  	v23 =	vpsel !p0, $0x0, v49  }
0x10f: {  	v24 =	vmul.f32 v24, v23  }
0x110: {  	v23 =	vmul.f32 v25, v23  }
0x111: {  	[tilespmem:s18+$0x8870] =	vst.add.f32.msk $0xffff, v24  }
0x112: {  	[tilespmem:s18+$0x12870] =	vst.add.f32.msk $0xffff, v23  }
0x113: {  	v50 =	vld [tilespmem:s19+$0x1C00]  }
0x114: {  	v26 =	vld [tilespmem:s19+$0x3C00]  }
0x115: {  	v27 =	vld [tilespmem:s19+$0x5C00];
	_ =	sdelay $0x2  }
0x116: {  	v25 =	vpsel !p0, $0x0, v50  }
0x117: {  	v26 =	vmul.f32 v26, v25  }
0x118: {  	v25 =	vmul.f32 v27, v25  }
0x119: {  	[tilespmem:s18+$0x8C00] =	vst.add.f32.msk $0xffff, v26  }
0x11a: {  	[tilespmem:s18+$0x12C00] =	vst.add.f32.msk $0xffff, v25  }
0x11b: {  	v51 =	vld [tilespmem:s19+$0x1C10]  }
0x11c: {  	v28 =	vld [tilespmem:s19+$0x3C10]  }
0x11d: {  	v29 =	vld [tilespmem:s19+$0x5C10];
	_ =	sdelay $0x2  }
0x11e: {  	v27 =	vpsel !p0, $0x0, v51  }
0x11f: {  	v28 =	vmul.f32 v28, v27  }
0x120: {  	v27 =	vmul.f32 v29, v27  }
0x121: {  	[tilespmem:s18+$0x8C10] =	vst.add.f32.msk $0xffff, v28  }
0x122: {  	[tilespmem:s18+$0x12C10] =	vst.add.f32.msk $0xffff, v27  }
0x123: {  	v52 =	vld [tilespmem:s19+$0x1C20]  }
0x124: {  	v30 =	vld [tilespmem:s19+$0x3C20]  }
0x125: {  	v31 =	vld [tilespmem:s19+$0x5C20];
	_ =	sdelay $0x2  }
0x126: {  	v29 =	vpsel !p0, $0x0, v52  }
0x127: {  	v30 =	vmul.f32 v30, v29  }
0x128: {  	v29 =	vmul.f32 v31, v29  }
0x129: {  	[tilespmem:s18+$0x8C20] =	vst.add.f32.msk $0xffff, v30  }
0x12a: {  	[tilespmem:s18+$0x12C20] =	vst.add.f32.msk $0xffff, v29  }
0x12b: {  	v53 =	vld [tilespmem:s19+$0x1C30]  }
0x12c: {  	v32 =	vld [tilespmem:s19+$0x3C30]  }
0x12d: {  	v33 =	vld [tilespmem:s19+$0x5C30];
	_ =	sdelay $0x2  }
0x12e: {  	v31 =	vpsel !p0, $0x0, v53  }
0x12f: {  	v32 =	vmul.f32 v32, v31  }
0x130: {  	v31 =	vmul.f32 v33, v31  }
0x131: {  	[tilespmem:s18+$0x8C30] =	vst.add.f32.msk $0xffff, v32  }
0x132: {  	[tilespmem:s18+$0x12C30] =	vst.add.f32.msk $0xffff, v31  }
0x133: {  	v54 =	vld [tilespmem:s19+$0x1C40]  }
0x134: {  	v34 =	vld [tilespmem:s19+$0x3C40]  }
0x135: {  	v35 =	vld [tilespmem:s19+$0x5C40];
	_ =	sdelay $0x2  }
0x136: {  	v33 =	vpsel !p0, $0x0, v54  }
0x137: {  	v34 =	vmul.f32 v34, v33  }
0x138: {  	v33 =	vmul.f32 v35, v33  }
0x139: {  	v10 =	vadd.f32 $0.0e+00, v10;
	[tilespmem:s18+$0x8C40] =	vst.add.f32.msk $0xffff, v34  }
0x13a: {  	v9 =	vadd.f32 $0.0e+00, v9;
	[tilespmem:s18+$0x12C40] =	vst.add.f32.msk $0xffff, v33  }
0x13b: {  	v10 =	vadd.f32 v12, v10;
	v55 =	vld [tilespmem:s19+$0x1C50]  }
0x13c: {  	v9 =	vadd.f32 v11, v9;
	v11 =	vld [tilespmem:s19+$0x3C50]  }
0x13d: {  	v10 =	vadd.f32 v14, v10;
	v56 =	vld [tilespmem:s19+$0x5C50]  }
0x13e: {  	v9 =	vadd.f32 v13, v9  }
0x13f: {  	v10 =	vadd.f32 v16, v10  }
0x140: {  	v9 =	vadd.f32 v15, v9;
	v12 =	vpsel !p0, $0x0, v55  }
0x141: {  	v10 =	vadd.f32 v18, v10;
	v11 =	vmul.f32 v11, v12  }
0x142: {  	v9 =	vadd.f32 v17, v9;
	v12 =	vmul.f32 v56, v12  }
0x143: {  	v10 =	vadd.f32 v20, v10;
	[tilespmem:s18+$0x8C50] =	vst.add.f32.msk $0xffff, v11  }
0x144: {  	v9 =	vadd.f32 v19, v9;
	[tilespmem:s18+$0x12C50] =	vst.add.f32.msk $0xffff, v12  }
0x145: {  	v10 =	vadd.f32 v22, v10;
	v57 =	vld [tilespmem:s19+$0x1C60]  }
0x146: {  	v9 =	vadd.f32 v21, v9;
	v58 =	vld [tilespmem:s19+$0x3C60]  }
0x147: {  	v10 =	vadd.f32 v24, v10;
	v59 =	vld [tilespmem:s19+$0x5C60]  }
0x148: {  	v9 =	vadd.f32 v23, v9  }
0x149: {  	v10 =	vadd.f32 v26, v10  }
0x14a: {  	v9 =	vadd.f32 v25, v9;
	v13 =	vpsel !p0, $0x0, v57  }
0x14b: {  	v10 =	vadd.f32 v28, v10;
	v14 =	vmul.f32 v58, v13  }
0x14c: {  	v9 =	vadd.f32 v27, v9;
	v13 =	vmul.f32 v59, v13  }
0x14d: {  	v10 =	vadd.f32 v30, v10;
	[tilespmem:s18+$0x8C60] =	vst.add.f32.msk $0xffff, v14  }
0x14e: {  	v9 =	vadd.f32 v29, v9;
	[tilespmem:s18+$0x12C60] =	vst.add.f32.msk $0xffff, v13  }
0x14f: {  	v10 =	vadd.f32 v32, v10;
	v60 =	vld [tilespmem:s19+$0x1C70]  }
0x150: {  	v9 =	vadd.f32 v31, v9;
	v61 =	vld [tilespmem:s19+$0x3C70]  }
0x151: {  	v10 =	vadd.f32 v34, v10;
	v62 =	vld [tilespmem:s19+$0x5C70]  }
0x152: {  	v9 =	vadd.f32 v33, v9  }
0x153: {  	v10 =	vadd.f32 v11, v10  }
0x154: {  	v9 =	vadd.f32 v12, v9;
	v11 =	vpsel !p0, $0x0, v60  }
0x155: {  	v10 =	vadd.f32 v14, v10;
	v63 =	vmul.f32 v61, v11  }
0x156: {  	v9 =	vadd.f32 v13, v9;
	v11 =	vmul.f32 v62, v11  }
0x157: {  	v10 =	vadd.f32 v63, v10  }
0x158: {  	v9 =	vadd.f32 v11, v9  }
0x159: {  	(xrf2) =	vadd.scan.msk.f32 $0xffff, v10  }
0x15a: {  	(xrf2) =	vadd.scan.msk.f32 $0xffff, v9;
	_ =	sdelay $0x4  }
0x15b: {  	[tilespmem:s18+$0x8C70] =	vst.add.f32.msk $0xffff, v63  }
0x15c: {  	[tilespmem:s18+$0x12C70] =	vst.add.f32.msk $0xffff, v11  }
0x15d: {  	v9 =	vld [tilespmem:s31+$0x0];
	_ =	sdelay $0x1  }
0x15e: {  	v10, _, _ =	vpop (xrf2)  }
0x15f: {  	p0 =	sne.s32 s2, $0x1F00;
	v10 =	vbroadcast v10, $0xF;
	v11, _, _ =	vpop (xrf2)  }
.Ltmp10:
0x160: {  	v11 =	vbroadcast v11, $0xF;
	(pc) =	sbr.rel @p0 .LBB2_11-.Ltmp10, $4  }
0x161: {  	v10 =	vmul.f32 v10, v9  }
0x162: {  	s17 =	sshra.s32 s17, $0x2;
	v9 =	vmul.f32 v11, v9  }
0x163: {  	s15 =	sadd.s32 $0x80, s15;
	s13 =	sadd.s32 $0x1, s13;
	[tilespmem:s17+$0x1C800] =	vst.add.f32.msk $0xffff, v10  }
0x164: {  	s12 =	sadd.s32 $0x1, s12;
	s2 =	sadd.s32 $0x100, s2;
	s31 =	sadd.s32 $0x80, s31;
	[tilespmem:s17+$0x1C810] =	vst.add.f32.msk $0xffff, v9  }
0x165: {  	s0 =	sadd.s32 $0x1, s0  }
0x166: {  	p0 =	sne.s32 s0, s9  }
.Ltmp11:
0x167: {  	_ = 	snop;
	(pc) =	sbr.rel @p0 .LBB2_10-.Ltmp11, $4  }
.Ltmp12:
0x168: {  	_ = 	snop;
	(pc) =	sbr.rel @!p0 .LBB2_13-.Ltmp12, $4  }
0x169: {  	_ = 	snop  }
0x16a: {  	_ = 	snop  }
0x16b: {  	s3 =	sadd.s32 $0x20, s3;
	s4 =	sadd.s32 $0x20, s4  }
0x16c: {  	_ = 	snop  }
.LBB2_16:
0x16d: {  	_ =	sfence.sel $0x180000  }
0x16e: {  	[bflag:$0x0] =	sbarrier.arrive $0xFFFF  }
0x16f: {  	_ =	strace $0x90000047  }
0x170: {  	s0 =	stileid.u32;
	[bflag:$0x2] =	sbarrier.arrive $0xFFFF  }
0x171: {  	p0 =	sne.s32 s0, $0x0;
	s0 =	rddreg [dreg:$0x3]  }
0x172: {  	s0 =	sadd.s32 @!p0 $0x100000, s0  }
0x173: {  	[sflag:s0] =	ssyncadd.tile.s32 @!p0 $0x1;
	_ =	shalt  }
.Lfunc_end2:
_tile_overlayer_lowered:
.L_overlay_start_2:
0x174: {  	(tag) =	ssettag $0x2  }
0x175: {  	s0 =	rddreg [dreg:$0x0];
	s2 =	stileid.u32  }
0x176: {  	s1 =	rddreg [dreg:$0x1];
	p0 =	sne.s32 s2, $0x0  }
0x177: {  	s3 =	rddreg [dreg:$0x2];
	[bflag:$0x3] =	sbarrier.arrive $0xFFFF;
	s2 =	simm.s32 @!p0 $0x1C02  }
0x178: {  	[timem:s3], [sflag:s2] =	dma.local @!p0 [hbm:s0], s1  }
0x179: {  	s0 =	simm.s32 @!p0 $0x2  }
0x17a: {  	_ =	swait.ge @!p0 [sflag:s0], s1  }
0x17b: {  	s1 =	ssub.s32 @!p0 $0x0, s1;
	[sflag:s0] =	ssyncset.done @!p0 $0x0  }
0x17c: {  	[sflag:s0] =	ssyncadd.s32 @!p0 s1  }
0x17d: {  	[bflag:$0x3] =	sbarrier.arrive $0xFFFF  }
0x17e: {  	_ =	shalt  }

</sc_bundles>
